<compile_context>
chip_gen: v7x
topology: tpu7x:2x2x1
jax: 0.10.2.dev20260603
libtpu: 0.0.44.dev20260713+nightly
codegen_flags: <defaults>
</compile_context>

<pallas_src>
import functools

import jax
import jax.numpy as jnp
from jax import lax
from jax.experimental import pallas as pl
from jax.experimental.pallas import tpu as pltpu
from jax.experimental.pallas import tpu_sc as plsc

_E = 8
_K = 2
_H = 768
_T = 32768
_NCHUNK = 2
_TC = _T // _NCHUNK
_TBLK = 4096

_NW = 32
_TPW = _TC // _NW
_GRP = _TPW // 16


def _logits_block(w_ref, b_ref, hs_ref, out_ref):
    hs = hs_ref[...]
    w = w_ref[...]
    logits = jax.lax.dot_general(
        w, hs, (((1,), (1,)), ((), ())), preferred_element_type=jnp.float32)
    out_ref[...] = logits + b_ref[...]


def _sc_route(logits_hbm, scores_hbm, idx_hbm, lg_v, sc_v, ix_v):
    wid = lax.axis_index("s") * 2 + lax.axis_index("c")
    base = wid * _TPW
    pltpu.sync_copy(logits_hbm.at[:, pl.ds(base, _TPW)], lg_v)

    def group(g, carry):
        l = [lg_v[e, pl.ds(g * 16, 16)] for e in range(_E)]
        m1 = l[0]
        for e in range(1, _E):
            m1 = jnp.maximum(m1, l[e])
        i1 = jnp.where(l[0] == m1, 0, _E)
        for e in range(1, _E):
            i1 = jnp.minimum(i1, jnp.where(l[e] == m1, e, _E))
        neg = jnp.float32(-3.0e38)
        lm = [jnp.where(i1 == e, neg, l[e]) for e in range(_E)]
        m2 = lm[0]
        for e in range(1, _E):
            m2 = jnp.maximum(m2, lm[e])
        i2 = jnp.where(lm[0] == m2, 0, _E)
        for e in range(1, _E):
            i2 = jnp.minimum(i2, jnp.where(lm[e] == m2, e, _E))

        s = jnp.exp(m2 - m1)
        r = 1.0 / (1.0 + s)
        p2 = s * r

        zeros = jnp.zeros((16,), jnp.float32)
        for k in range(_E):
            sc_v[pl.ds(g * 128 + k * 16, 16)] = zeros
        ltok = g * 16 + lax.iota(jnp.int32, 16)
        plsc.store_scatter(sc_v, [ltok * _E + i1], r)
        plsc.store_scatter(sc_v, [ltok * _E + i2], p2)
        plsc.store_scatter(ix_v, [ltok * _K], i1)
        plsc.store_scatter(ix_v, [ltok * _K + 1], i2)
        return carry

    lax.fori_loop(0, _GRP, group, 0)
    pltpu.sync_copy(sc_v, scores_hbm.at[pl.ds(base * _E, _TPW * _E)])
    pltpu.sync_copy(ix_v, idx_hbm.at[pl.ds(base * _K, _TPW * _K)])


_sc_route_call = functools.partial(
    pl.kernel,
    out_type=[
        jax.ShapeDtypeStruct((_TC * _E,), jnp.float32),
        jax.ShapeDtypeStruct((_TC * _K,), jnp.int32),
    ],
    mesh=plsc.VectorSubcoreMesh(
        core_axis_name="c", subcore_axis_name="s",
        num_cores=2, num_subcores=16),
    scratch_types=[
        pltpu.VMEM((_E, _TPW), jnp.float32),
        pltpu.VMEM((_TPW * _E,), jnp.float32),
        pltpu.VMEM((_TPW * _K,), jnp.int32),
    ],
    compiler_params=pltpu.CompilerParams(needs_layout_passes=False),
)(_sc_route)


def _tc_logits(hidden_chunk, router_weight, bias2d):
    grid = (_TC // _TBLK,)
    return pl.pallas_call(
        _logits_block,
        grid=grid,
        in_specs=[
            pl.BlockSpec((_E, _H), lambda i: (0, 0)),
            pl.BlockSpec((_E, 1), lambda i: (0, 0)),
            pl.BlockSpec((_TBLK, _H), lambda i: (i, 0)),
        ],
        out_specs=pl.BlockSpec((_E, _TBLK), lambda i: (0, i)),
        out_shape=jax.ShapeDtypeStruct((_E, _TC), jnp.float32),
        compiler_params=pltpu.CompilerParams(
            dimension_semantics=("parallel",)),
    )(router_weight, bias2d, hidden_chunk)


@jax.jit
def kernel(hidden_states, router_weight, router_bias):
    b2 = router_bias.reshape(_E, 1)
    lg = [_tc_logits(hidden_states[c * _TC:(c + 1) * _TC], router_weight, b2)
          for c in range(_NCHUNK)]
    outs = [_sc_route_call(lg[c]) for c in range(_NCHUNK)]
    scores = jnp.concatenate([o[0] for o in outs]).reshape(_T, _E)
    idx = jnp.concatenate([o[1] for o in outs]).reshape(_T, _K)
    return scores, idx

# --- scband reference (transcript-rebuilt; emitter-appended) ---
"""Pipeline reference for scband-gpt-oss-top-krouter-71459665871174 (READ-ONLY COPY).

The authoritative reference and input builder live on the scoring server;
editing this copy changes nothing except your own understanding.
"""

import jax, jax.numpy as jnp
import numpy as np

NUM_EXPERTS = 8
TOP_K = 2
HIDDEN_DIM = 768
NUM_TOKENS = 32768


def setup_inputs(seed: int = 0) -> dict:
    key = jax.random.key(seed)
    k1, k2 = jax.random.split(key, 2)
    hidden_states = jax.random.normal(k1, (NUM_TOKENS, HIDDEN_DIM), dtype=jnp.float32)
    # glorot_uniform for (num_experts, hidden_dim) weight
    limit = np.sqrt(6.0 / (NUM_EXPERTS + HIDDEN_DIM))
    router_weight = jax.random.uniform(k2, (NUM_EXPERTS, HIDDEN_DIM), dtype=jnp.float32, minval=-limit, maxval=limit)
    router_bias = jnp.zeros((NUM_EXPERTS,), dtype=jnp.float32)
    return {"hidden_states": hidden_states, "router_weight": router_weight, "router_bias": router_bias}


def reference(hidden_states, router_weight, router_bias):
    # router_logits: [T, E]
    router_logits = jnp.einsum('th,eh->te', hidden_states, router_weight) + router_bias
    # top-k selection per token
    router_top_value, router_indices = jax.lax.top_k(router_logits, TOP_K)
    # softmax over selected logits only
    router_top_value = jax.nn.softmax(router_top_value, axis=-1)
    # scatter top-k probabilities back into dense [T, E] score tensor
    one_hot_indices = jax.nn.one_hot(router_indices, NUM_EXPERTS, dtype=router_top_value.dtype)  # [T, k, E]
    router_scores = jnp.sum(one_hot_indices * router_top_value[..., None], axis=1)  # [T, E]
    return (router_scores, router_indices)

if __name__ == "__main__":
    import jax
    _d = setup_inputs()
    print(jax.jit(kernel)(*tuple(_d.values())))

</pallas_src>

<mosaic_0001>
#map = affine_map<(d0, d1) -> (0, 0)>
#map1 = affine_map<(d0, d1) -> (0)>
module attributes {stable_mosaic.version = 14 : i64} {
  func.func @_sc_route(%arg0: i32, %arg1: i32, %arg2: memref<8x16384xf32, #tpu.memory_space<hbm>>, %arg3: memref<131072xf32, #tpu.memory_space<hbm>>, %arg4: memref<32768xi32, #tpu.memory_space<hbm>>, %arg5: memref<8x512xf32, #tpu.memory_space<vmem>>, %arg6: memref<4096xf32, #tpu.memory_space<vmem>>, %arg7: memref<1024xi32, #tpu.memory_space<vmem>>) attributes {dimension_semantics = [#tpu.dimension_semantics<core_parallel>, #tpu.dimension_semantics<subcore_parallel>], iteration_bounds = array<i64: 2, 16>, scalar_prefetch = 0 : i64, scratch_operands = 3 : i64, tpu.core_type = #tpu.core_type<sc_vector_subcore>, window_params = [{transform_indices = #map}, {transform_indices = #map1}, {transform_indices = #map1}]} {
    %mul3A = arith.constant 2 : i32
    %mul3A_0 = arith.muli %arg1, %mul3A : i32
    %add3A = arith.addi %mul3A_0, %arg0 : i32
    %mul3A_1 = arith.constant 512 : i32
    %mul3A_2 = arith.muli %add3A, %mul3A_1 : i32
    "tpu.region"() ({
      %run_scoped3A = tpu.sem_alloc : memref<!tpu.dma_semaphore, #tpu.memory_space<semaphore_mem>>
      %dma_start3A = arith.constant 0 : i32
      %dma_start3A_12 = tpu.memref_slice %arg2[%dma_start3A, %mul3A_2] : memref<8x16384xf32, #tpu.memory_space<hbm>> -> memref<8x512xf32, #tpu.memory_space<hbm>>
      %dma_start3A_13 = arith.constant 0 : i32
      %dma_start3A_14 = tpu.memref_slice %arg2[%dma_start3A_13, %mul3A_2] : memref<8x16384xf32, #tpu.memory_space<hbm>> -> memref<8x512xf32, #tpu.memory_space<hbm>>
      tpu.enqueue_dma source(%dma_start3A_14 : memref<8x512xf32, #tpu.memory_space<hbm>>) target(%arg5 : memref<8x512xf32, #tpu.memory_space<vmem>>) target_semaphore(%run_scoped3A : memref<!tpu.dma_semaphore, #tpu.memory_space<semaphore_mem>>)
      %dma_wait3A = arith.constant 0 : i32
      %dma_wait3A_15 = tpu.memref_slice %arg2[%dma_wait3A, %mul3A_2] : memref<8x16384xf32, #tpu.memory_space<hbm>> -> memref<8x512xf32, #tpu.memory_space<hbm>>
      %dma_wait3A_16 = arith.constant 0 : i32
      %dma_wait3A_17 = tpu.memref_slice %arg2[%dma_wait3A_16, %mul3A_2] : memref<8x16384xf32, #tpu.memory_space<hbm>> -> memref<8x512xf32, #tpu.memory_space<hbm>>
      tpu.wait_dma2 semaphore(%run_scoped3A : memref<!tpu.dma_semaphore, #tpu.memory_space<semaphore_mem>>) src(%dma_wait3A_17 : memref<8x512xf32, #tpu.memory_space<hbm>>) dst(%arg5 : memref<8x512xf32, #tpu.memory_space<vmem>>)
      tpu.yield
    }) : () -> ()
    %scan3A = arith.constant 0 : i32
    %scan3A_3 = arith.constant 0 : i32
    %scan3A_4 = arith.constant 32 : i32
    %scan3A_5 = arith.addi %scan3A_3, %scan3A_4 : i32
    %scan3A_6 = arith.constant 1 : i32
    scf.for %scan3A_12 = %scan3A_3 to %scan3A_5 step %scan3A_6  : i32 {
      %mul3A_13 = arith.constant 16 : i32
      %mul3A_14 = arith.muli %scan3A_12, %mul3A_13 : i32
      %get3A = arith.constant 0 : i32
      %get3A_15 = arith.index_cast %get3A : i32 to index
      %get3A_16 = arith.index_cast %mul3A_14 : i32 to index
      %get3A_17 = tpu.vector_load %arg5[%get3A_15, %get3A_16] {strides = array<i32>} : memref<8x512xf32, #tpu.memory_space<vmem>>, vector<16xf32>,
      %mul3A_18 = arith.constant 16 : i32
      %mul3A_19 = arith.muli %scan3A_12, %mul3A_18 : i32
      %get3A_20 = arith.constant 1 : i32
      %get3A_21 = arith.index_cast %get3A_20 : i32 to index
      %get3A_22 = arith.index_cast %mul3A_19 : i32 to index
      %get3A_23 = tpu.vector_load %arg5[%get3A_21, %get3A_22] {strides = array<i32>} : memref<8x512xf32, #tpu.memory_space<vmem>>, vector<16xf32>,
      %mul3A_24 = arith.constant 16 : i32
      %mul3A_25 = arith.muli %scan3A_12, %mul3A_24 : i32
      %get3A_26 = arith.constant 2 : i32
      %get3A_27 = arith.index_cast %get3A_26 : i32 to index
      %get3A_28 = arith.index_cast %mul3A_25 : i32 to index
      %get3A_29 = tpu.vector_load %arg5[%get3A_27, %get3A_28] {strides = array<i32>} : memref<8x512xf32, #tpu.memory_space<vmem>>, vector<16xf32>,
      %mul3A_30 = arith.constant 16 : i32
      %mul3A_31 = arith.muli %scan3A_12, %mul3A_30 : i32
      %get3A_32 = arith.constant 3 : i32
      %get3A_33 = arith.index_cast %get3A_32 : i32 to index
      %get3A_34 = arith.index_cast %mul3A_31 : i32 to index
      %get3A_35 = tpu.vector_load %arg5[%get3A_33, %get3A_34] {strides = array<i32>} : memref<8x512xf32, #tpu.memory_space<vmem>>, vector<16xf32>,
      %mul3A_36 = arith.constant 16 : i32
      %mul3A_37 = arith.muli %scan3A_12, %mul3A_36 : i32
      %get3A_38 = arith.constant 4 : i32
      %get3A_39 = arith.index_cast %get3A_38 : i32 to index
      %get3A_40 = arith.index_cast %mul3A_37 : i32 to index
      %get3A_41 = tpu.vector_load %arg5[%get3A_39, %get3A_40] {strides = array<i32>} : memref<8x512xf32, #tpu.memory_space<vmem>>, vector<16xf32>,
      %mul3A_42 = arith.constant 16 : i32
      %mul3A_43 = arith.muli %scan3A_12, %mul3A_42 : i32
      %get3A_44 = arith.constant 5 : i32
      %get3A_45 = arith.index_cast %get3A_44 : i32 to index
      %get3A_46 = arith.index_cast %mul3A_43 : i32 to index
      %get3A_47 = tpu.vector_load %arg5[%get3A_45, %get3A_46] {strides = array<i32>} : memref<8x512xf32, #tpu.memory_space<vmem>>, vector<16xf32>,
      %mul3A_48 = arith.constant 16 : i32
      %mul3A_49 = arith.muli %scan3A_12, %mul3A_48 : i32
      %get3A_50 = arith.constant 6 : i32
      %get3A_51 = arith.index_cast %get3A_50 : i32 to index
      %get3A_52 = arith.index_cast %mul3A_49 : i32 to index
      %get3A_53 = tpu.vector_load %arg5[%get3A_51, %get3A_52] {strides = array<i32>} : memref<8x512xf32, #tpu.memory_space<vmem>>, vector<16xf32>,
      %mul3A_54 = arith.constant 16 : i32
      %mul3A_55 = arith.muli %scan3A_12, %mul3A_54 : i32
      %get3A_56 = arith.constant 7 : i32
      %get3A_57 = arith.index_cast %get3A_56 : i32 to index
      %get3A_58 = arith.index_cast %mul3A_55 : i32 to index
      %get3A_59 = tpu.vector_load %arg5[%get3A_57, %get3A_58] {strides = array<i32>} : memref<8x512xf32, #tpu.memory_space<vmem>>, vector<16xf32>,
      %max3A = arith.maximumf %get3A_17, %get3A_23 : vector<16xf32>
      %max3A_60 = arith.maximumf %max3A, %get3A_29 : vector<16xf32>
      %max3A_61 = arith.maximumf %max3A_60, %get3A_35 : vector<16xf32>
      %max3A_62 = arith.maximumf %max3A_61, %get3A_41 : vector<16xf32>
      %max3A_63 = arith.maximumf %max3A_62, %get3A_47 : vector<16xf32>
      %max3A_64 = arith.maximumf %max3A_63, %get3A_53 : vector<16xf32>
      %max3A_65 = arith.maximumf %max3A_64, %get3A_59 : vector<16xf32>
      %eq3A = arith.cmpf oeq, %get3A_17, %max3A_65 : vector<16xf32>
      %jit3A = arith.constant 0 : i32
      %jit3A_66 = arith.constant 8 : i32
      %broadcast_in_dim3A = vector.broadcast %jit3A : i32 to vector<16xi32>
      %broadcast_in_dim3A_67 = vector.broadcast %jit3A_66 : i32 to vector<16xi32>
      %select_n3A = arith.select %eq3A, %broadcast_in_dim3A, %broadcast_in_dim3A_67 : vector<16xi1>, vector<16xi32>
      %eq3A_68 = arith.cmpf oeq, %get3A_23, %max3A_65 : vector<16xf32>
      %jit3A_69 = arith.constant 1 : i32
      %jit3A_70 = arith.constant 8 : i32
      %broadcast_in_dim3A_71 = vector.broadcast %jit3A_69 : i32 to vector<16xi32>
      %broadcast_in_dim3A_72 = vector.broadcast %jit3A_70 : i32 to vector<16xi32>
      %select_n3A_73 = arith.select %eq3A_68, %broadcast_in_dim3A_71, %broadcast_in_dim3A_72 : vector<16xi1>, vector<16xi32>
      %min3A = arith.minsi %select_n3A, %select_n3A_73 : vector<16xi32>
      %eq3A_74 = arith.cmpf oeq, %get3A_29, %max3A_65 : vector<16xf32>
      %jit3A_75 = arith.constant 2 : i32
      %jit3A_76 = arith.constant 8 : i32
      %broadcast_in_dim3A_77 = vector.broadcast %jit3A_75 : i32 to vector<16xi32>
      %broadcast_in_dim3A_78 = vector.broadcast %jit3A_76 : i32 to vector<16xi32>
      %select_n3A_79 = arith.select %eq3A_74, %broadcast_in_dim3A_77, %broadcast_in_dim3A_78 : vector<16xi1>, vector<16xi32>
      %min3A_80 = arith.minsi %min3A, %select_n3A_79 : vector<16xi32>
      %eq3A_81 = arith.cmpf oeq, %get3A_35, %max3A_65 : vector<16xf32>
      %jit3A_82 = arith.constant 3 : i32
      %jit3A_83 = arith.constant 8 : i32
      %broadcast_in_dim3A_84 = vector.broadcast %jit3A_82 : i32 to vector<16xi32>
      %broadcast_in_dim3A_85 = vector.broadcast %jit3A_83 : i32 to vector<16xi32>
      %select_n3A_86 = arith.select %eq3A_81, %broadcast_in_dim3A_84, %broadcast_in_dim3A_85 : vector<16xi1>, vector<16xi32>
      %min3A_87 = arith.minsi %min3A_80, %select_n3A_86 : vector<16xi32>
      %eq3A_88 = arith.cmpf oeq, %get3A_41, %max3A_65 : vector<16xf32>
      %jit3A_89 = arith.constant 4 : i32
      %jit3A_90 = arith.constant 8 : i32
      %broadcast_in_dim3A_91 = vector.broadcast %jit3A_89 : i32 to vector<16xi32>
      %broadcast_in_dim3A_92 = vector.broadcast %jit3A_90 : i32 to vector<16xi32>
      %select_n3A_93 = arith.select %eq3A_88, %broadcast_in_dim3A_91, %broadcast_in_dim3A_92 : vector<16xi1>, vector<16xi32>
      %min3A_94 = arith.minsi %min3A_87, %select_n3A_93 : vector<16xi32>
      %eq3A_95 = arith.cmpf oeq, %get3A_47, %max3A_65 : vector<16xf32>
      %jit3A_96 = arith.constant 5 : i32
      %jit3A_97 = arith.constant 8 : i32
      %broadcast_in_dim3A_98 = vector.broadcast %jit3A_96 : i32 to vector<16xi32>
      %broadcast_in_dim3A_99 = vector.broadcast %jit3A_97 : i32 to vector<16xi32>
      %select_n3A_100 = arith.select %eq3A_95, %broadcast_in_dim3A_98, %broadcast_in_dim3A_99 : vector<16xi1>, vector<16xi32>
      %min3A_101 = arith.minsi %min3A_94, %select_n3A_100 : vector<16xi32>
      %eq3A_102 = arith.cmpf oeq, %get3A_53, %max3A_65 : vector<16xf32>
      %jit3A_103 = arith.constant 6 : i32
      %jit3A_104 = arith.constant 8 : i32
      %broadcast_in_dim3A_105 = vector.broadcast %jit3A_103 : i32 to vector<16xi32>
      %broadcast_in_dim3A_106 = vector.broadcast %jit3A_104 : i32 to vector<16xi32>
      %select_n3A_107 = arith.select %eq3A_102, %broadcast_in_dim3A_105, %broadcast_in_dim3A_106 : vector<16xi1>, vector<16xi32>
      %min3A_108 = arith.minsi %min3A_101, %select_n3A_107 : vector<16xi32>
      %eq3A_109 = arith.cmpf oeq, %get3A_59, %max3A_65 : vector<16xf32>
      %jit3A_110 = arith.constant 7 : i32
      %jit3A_111 = arith.constant 8 : i32
      %broadcast_in_dim3A_112 = vector.broadcast %jit3A_110 : i32 to vector<16xi32>
      %broadcast_in_dim3A_113 = vector.broadcast %jit3A_111 : i32 to vector<16xi32>
      %select_n3A_114 = arith.select %eq3A_109, %broadcast_in_dim3A_112, %broadcast_in_dim3A_113 : vector<16xi1>, vector<16xi32>
      %min3A_115 = arith.minsi %min3A_108, %select_n3A_114 : vector<16xi32>
      %eq3A_116 = arith.constant 0 : i32
      %eq3A_117 = vector.broadcast %eq3A_116 : i32 to vector<16xi32>
      %eq3A_118 = arith.cmpi eq, %min3A_115, %eq3A_117 : vector<16xi32>
      %jit3A_119 = arith.constant -3.000000e+38 : f32
      %broadcast_in_dim3A_120 = vector.broadcast %jit3A_119 : f32 to vector<16xf32>
      %select_n3A_121 = arith.select %eq3A_118, %broadcast_in_dim3A_120, %get3A_17 : vector<16xi1>, vector<16xf32>
      %eq3A_122 = arith.constant 1 : i32
      %eq3A_123 = vector.broadcast %eq3A_122 : i32 to vector<16xi32>
      %eq3A_124 = arith.cmpi eq, %min3A_115, %eq3A_123 : vector<16xi32>
      %jit3A_125 = arith.constant -3.000000e+38 : f32
      %broadcast_in_dim3A_126 = vector.broadcast %jit3A_125 : f32 to vector<16xf32>
      %select_n3A_127 = arith.select %eq3A_124, %broadcast_in_dim3A_126, %get3A_23 : vector<16xi1>, vector<16xf32>
      %eq3A_128 = arith.constant 2 : i32
      %eq3A_129 = vector.broadcast %eq3A_128 : i32 to vector<16xi32>
      %eq3A_130 = arith.cmpi eq, %min3A_115, %eq3A_129 : vector<16xi32>
      %jit3A_131 = arith.constant -3.000000e+38 : f32
      %broadcast_in_dim3A_132 = vector.broadcast %jit3A_131 : f32 to vector<16xf32>
      %select_n3A_133 = arith.select %eq3A_130, %broadcast_in_dim3A_132, %get3A_29 : vector<16xi1>, vector<16xf32>
      %eq3A_134 = arith.constant 3 : i32
      %eq3A_135 = vector.broadcast %eq3A_134 : i32 to vector<16xi32>
      %eq3A_136 = arith.cmpi eq, %min3A_115, %eq3A_135 : vector<16xi32>
      %jit3A_137 = arith.constant -3.000000e+38 : f32
      %broadcast_in_dim3A_138 = vector.broadcast %jit3A_137 : f32 to vector<16xf32>
      %select_n3A_139 = arith.select %eq3A_136, %broadcast_in_dim3A_138, %get3A_35 : vector<16xi1>, vector<16xf32>
      %eq3A_140 = arith.constant 4 : i32
      %eq3A_141 = vector.broadcast %eq3A_140 : i32 to vector<16xi32>
      %eq3A_142 = arith.cmpi eq, %min3A_115, %eq3A_141 : vector<16xi32>
      %jit3A_143 = arith.constant -3.000000e+38 : f32
      %broadcast_in_dim3A_144 = vector.broadcast %jit3A_143 : f32 to vector<16xf32>
      %select_n3A_145 = arith.select %eq3A_142, %broadcast_in_dim3A_144, %get3A_41 : vector<16xi1>, vector<16xf32>
      %eq3A_146 = arith.constant 5 : i32
      %eq3A_147 = vector.broadcast %eq3A_146 : i32 to vector<16xi32>
      %eq3A_148 = arith.cmpi eq, %min3A_115, %eq3A_147 : vector<16xi32>
      %jit3A_149 = arith.constant -3.000000e+38 : f32
      %broadcast_in_dim3A_150 = vector.broadcast %jit3A_149 : f32 to vector<16xf32>
      %select_n3A_151 = arith.select %eq3A_148, %broadcast_in_dim3A_150, %get3A_47 : vector<16xi1>, vector<16xf32>
      %eq3A_152 = arith.constant 6 : i32
      %eq3A_153 = vector.broadcast %eq3A_152 : i32 to vector<16xi32>
      %eq3A_154 = arith.cmpi eq, %min3A_115, %eq3A_153 : vector<16xi32>
      %jit3A_155 = arith.constant -3.000000e+38 : f32
      %broadcast_in_dim3A_156 = vector.broadcast %jit3A_155 : f32 to vector<16xf32>
      %select_n3A_157 = arith.select %eq3A_154, %broadcast_in_dim3A_156, %get3A_53 : vector<16xi1>, vector<16xf32>
      %eq3A_158 = arith.constant 7 : i32
      %eq3A_159 = vector.broadcast %eq3A_158 : i32 to vector<16xi32>
      %eq3A_160 = arith.cmpi eq, %min3A_115, %eq3A_159 : vector<16xi32>
      %jit3A_161 = arith.constant -3.000000e+38 : f32
      %broadcast_in_dim3A_162 = vector.broadcast %jit3A_161 : f32 to vector<16xf32>
      %select_n3A_163 = arith.select %eq3A_160, %broadcast_in_dim3A_162, %get3A_59 : vector<16xi1>, vector<16xf32>
      %max3A_164 = arith.maximumf %select_n3A_121, %select_n3A_127 : vector<16xf32>
      %max3A_165 = arith.maximumf %max3A_164, %select_n3A_133 : vector<16xf32>
      %max3A_166 = arith.maximumf %max3A_165, %select_n3A_139 : vector<16xf32>
      %max3A_167 = arith.maximumf %max3A_166, %select_n3A_145 : vector<16xf32>
      %max3A_168 = arith.maximumf %max3A_167, %select_n3A_151 : vector<16xf32>
      %max3A_169 = arith.maximumf %max3A_168, %select_n3A_157 : vector<16xf32>
      %max3A_170 = arith.maximumf %max3A_169, %select_n3A_163 : vector<16xf32>
      %eq3A_171 = arith.cmpf oeq, %select_n3A_121, %max3A_170 : vector<16xf32>
      %jit3A_172 = arith.constant 0 : i32
      %jit3A_173 = arith.constant 8 : i32
      %broadcast_in_dim3A_174 = vector.broadcast %jit3A_172 : i32 to vector<16xi32>
      %broadcast_in_dim3A_175 = vector.broadcast %jit3A_173 : i32 to vector<16xi32>
      %select_n3A_176 = arith.select %eq3A_171, %broadcast_in_dim3A_174, %broadcast_in_dim3A_175 : vector<16xi1>, vector<16xi32>
      %eq3A_177 = arith.cmpf oeq, %select_n3A_127, %max3A_170 : vector<16xf32>
      %jit3A_178 = arith.constant 1 : i32
      %jit3A_179 = arith.constant 8 : i32
      %broadcast_in_dim3A_180 = vector.broadcast %jit3A_178 : i32 to vector<16xi32>
      %broadcast_in_dim3A_181 = vector.broadcast %jit3A_179 : i32 to vector<16xi32>
      %select_n3A_182 = arith.select %eq3A_177, %broadcast_in_dim3A_180, %broadcast_in_dim3A_181 : vector<16xi1>, vector<16xi32>
      %min3A_183 = arith.minsi %select_n3A_176, %select_n3A_182 : vector<16xi32>
      %eq3A_184 = arith.cmpf oeq, %select_n3A_133, %max3A_170 : vector<16xf32>
      %jit3A_185 = arith.constant 2 : i32
      %jit3A_186 = arith.constant 8 : i32
      %broadcast_in_dim3A_187 = vector.broadcast %jit3A_185 : i32 to vector<16xi32>
      %broadcast_in_dim3A_188 = vector.broadcast %jit3A_186 : i32 to vector<16xi32>
      %select_n3A_189 = arith.select %eq3A_184, %broadcast_in_dim3A_187, %broadcast_in_dim3A_188 : vector<16xi1>, vector<16xi32>
      %min3A_190 = arith.minsi %min3A_183, %select_n3A_189 : vector<16xi32>
      %eq3A_191 = arith.cmpf oeq, %select_n3A_139, %max3A_170 : vector<16xf32>
      %jit3A_192 = arith.constant 3 : i32
      %jit3A_193 = arith.constant 8 : i32
      %broadcast_in_dim3A_194 = vector.broadcast %jit3A_192 : i32 to vector<16xi32>
      %broadcast_in_dim3A_195 = vector.broadcast %jit3A_193 : i32 to vector<16xi32>
      %select_n3A_196 = arith.select %eq3A_191, %broadcast_in_dim3A_194, %broadcast_in_dim3A_195 : vector<16xi1>, vector<16xi32>
      %min3A_197 = arith.minsi %min3A_190, %select_n3A_196 : vector<16xi32>
      %eq3A_198 = arith.cmpf oeq, %select_n3A_145, %max3A_170 : vector<16xf32>
      %jit3A_199 = arith.constant 4 : i32
      %jit3A_200 = arith.constant 8 : i32
      %broadcast_in_dim3A_201 = vector.broadcast %jit3A_199 : i32 to vector<16xi32>
      %broadcast_in_dim3A_202 = vector.broadcast %jit3A_200 : i32 to vector<16xi32>
      %select_n3A_203 = arith.select %eq3A_198, %broadcast_in_dim3A_201, %broadcast_in_dim3A_202 : vector<16xi1>, vector<16xi32>
      %min3A_204 = arith.minsi %min3A_197, %select_n3A_203 : vector<16xi32>
      %eq3A_205 = arith.cmpf oeq, %select_n3A_151, %max3A_170 : vector<16xf32>
      %jit3A_206 = arith.constant 5 : i32
      %jit3A_207 = arith.constant 8 : i32
      %broadcast_in_dim3A_208 = vector.broadcast %jit3A_206 : i32 to vector<16xi32>
      %broadcast_in_dim3A_209 = vector.broadcast %jit3A_207 : i32 to vector<16xi32>
      %select_n3A_210 = arith.select %eq3A_205, %broadcast_in_dim3A_208, %broadcast_in_dim3A_209 : vector<16xi1>, vector<16xi32>
      %min3A_211 = arith.minsi %min3A_204, %select_n3A_210 : vector<16xi32>
      %eq3A_212 = arith.cmpf oeq, %select_n3A_157, %max3A_170 : vector<16xf32>
      %jit3A_213 = arith.constant 6 : i32
      %jit3A_214 = arith.constant 8 : i32
      %broadcast_in_dim3A_215 = vector.broadcast %jit3A_213 : i32 to vector<16xi32>
      %broadcast_in_dim3A_216 = vector.broadcast %jit3A_214 : i32 to vector<16xi32>
      %select_n3A_217 = arith.select %eq3A_212, %broadcast_in_dim3A_215, %broadcast_in_dim3A_216 : vector<16xi1>, vector<16xi32>
      %min3A_218 = arith.minsi %min3A_211, %select_n3A_217 : vector<16xi32>
      %eq3A_219 = arith.cmpf oeq, %select_n3A_163, %max3A_170 : vector<16xf32>
      %jit3A_220 = arith.constant 7 : i32
      %jit3A_221 = arith.constant 8 : i32
      %broadcast_in_dim3A_222 = vector.broadcast %jit3A_220 : i32 to vector<16xi32>
      %broadcast_in_dim3A_223 = vector.broadcast %jit3A_221 : i32 to vector<16xi32>
      %select_n3A_224 = arith.select %eq3A_219, %broadcast_in_dim3A_222, %broadcast_in_dim3A_223 : vector<16xi1>, vector<16xi32>
      %min3A_225 = arith.minsi %min3A_218, %select_n3A_224 : vector<16xi32>
      %sub3A = arith.subf %max3A_170, %max3A_65 : vector<16xf32>
      %exp3A = math.exp %sub3A : vector<16xf32>
      %add3A_226 = arith.constant 1.000000e+00 : f32
      %add3A_227 = vector.broadcast %add3A_226 : f32 to vector<16xf32>
      %add3A_228 = arith.addf %add3A_227, %exp3A : vector<16xf32>
      %div3A = arith.constant 1.000000e+00 : f32
      %div3A_229 = vector.broadcast %div3A : f32 to vector<16xf32>
      %div3A_230 = arith.divf %div3A_229, %add3A_228 : vector<16xf32>
      %mul3A_231 = arith.mulf %exp3A, %div3A_230 : vector<16xf32>
      %broadcast_in_dim3A_232 = arith.constant 0.000000e+00 : f32
      %broadcast_in_dim3A_233 = vector.broadcast %broadcast_in_dim3A_232 : f32 to vector<16xf32>
      %mul3A_234 = arith.constant 128 : i32
      %mul3A_235 = arith.muli %scan3A_12, %mul3A_234 : i32
      %add3A_236 = arith.constant 0 : i32
      %add3A_237 = arith.addi %mul3A_235, %add3A_236 : i32
      %swap3A = arith.index_cast %add3A_237 : i32 to index
      %swap3A_238 = tpu.vector_load %arg6[%swap3A] {strides = array<i32>} : memref<4096xf32, #tpu.memory_space<vmem>>, vector<16xf32>,
      tpu.vector_store %arg6[%swap3A], %broadcast_in_dim3A_233 {strides = array<i32>} : memref<4096xf32, #tpu.memory_space<vmem>>, vector<16xf32>,
      %mul3A_239 = arith.constant 128 : i32
      %mul3A_240 = arith.muli %scan3A_12, %mul3A_239 : i32
      %add3A_241 = arith.constant 16 : i32
      %add3A_242 = arith.addi %mul3A_240, %add3A_241 : i32
      %swap3A_243 = arith.index_cast %add3A_242 : i32 to index
      %swap3A_244 = tpu.vector_load %arg6[%swap3A_243] {strides = array<i32>} : memref<4096xf32, #tpu.memory_space<vmem>>, vector<16xf32>,
      tpu.vector_store %arg6[%swap3A_243], %broadcast_in_dim3A_233 {strides = array<i32>} : memref<4096xf32, #tpu.memory_space<vmem>>, vector<16xf32>,
      %mul3A_245 = arith.constant 128 : i32
      %mul3A_246 = arith.muli %scan3A_12, %mul3A_245 : i32
      %add3A_247 = arith.constant 32 : i32
      %add3A_248 = arith.addi %mul3A_246, %add3A_247 : i32
      %swap3A_249 = arith.index_cast %add3A_248 : i32 to index
      %swap3A_250 = tpu.vector_load %arg6[%swap3A_249] {strides = array<i32>} : memref<4096xf32, #tpu.memory_space<vmem>>, vector<16xf32>,
      tpu.vector_store %arg6[%swap3A_249], %broadcast_in_dim3A_233 {strides = array<i32>} : memref<4096xf32, #tpu.memory_space<vmem>>, vector<16xf32>,
      %mul3A_251 = arith.constant 128 : i32
      %mul3A_252 = arith.muli %scan3A_12, %mul3A_251 : i32
      %add3A_253 = arith.constant 48 : i32
      %add3A_254 = arith.addi %mul3A_252, %add3A_253 : i32
      %swap3A_255 = arith.index_cast %add3A_254 : i32 to index
      %swap3A_256 = tpu.vector_load %arg6[%swap3A_255] {strides = array<i32>} : memref<4096xf32, #tpu.memory_space<vmem>>, vector<16xf32>,
      tpu.vector_store %arg6[%swap3A_255], %broadcast_in_dim3A_233 {strides = array<i32>} : memref<4096xf32, #tpu.memory_space<vmem>>, vector<16xf32>,
      %mul3A_257 = arith.constant 128 : i32
      %mul3A_258 = arith.muli %scan3A_12, %mul3A_257 : i32
      %add3A_259 = arith.constant 64 : i32
      %add3A_260 = arith.addi %mul3A_258, %add3A_259 : i32
      %swap3A_261 = arith.index_cast %add3A_260 : i32 to index
      %swap3A_262 = tpu.vector_load %arg6[%swap3A_261] {strides = array<i32>} : memref<4096xf32, #tpu.memory_space<vmem>>, vector<16xf32>,
      tpu.vector_store %arg6[%swap3A_261], %broadcast_in_dim3A_233 {strides = array<i32>} : memref<4096xf32, #tpu.memory_space<vmem>>, vector<16xf32>,
      %mul3A_263 = arith.constant 128 : i32
      %mul3A_264 = arith.muli %scan3A_12, %mul3A_263 : i32
      %add3A_265 = arith.constant 80 : i32
      %add3A_266 = arith.addi %mul3A_264, %add3A_265 : i32
      %swap3A_267 = arith.index_cast %add3A_266 : i32 to index
      %swap3A_268 = tpu.vector_load %arg6[%swap3A_267] {strides = array<i32>} : memref<4096xf32, #tpu.memory_space<vmem>>, vector<16xf32>,
      tpu.vector_store %arg6[%swap3A_267], %broadcast_in_dim3A_233 {strides = array<i32>} : memref<4096xf32, #tpu.memory_space<vmem>>, vector<16xf32>,
      %mul3A_269 = arith.constant 128 : i32
      %mul3A_270 = arith.muli %scan3A_12, %mul3A_269 : i32
      %add3A_271 = arith.constant 96 : i32
      %add3A_272 = arith.addi %mul3A_270, %add3A_271 : i32
      %swap3A_273 = arith.index_cast %add3A_272 : i32 to index
      %swap3A_274 = tpu.vector_load %arg6[%swap3A_273] {strides = array<i32>} : memref<4096xf32, #tpu.memory_space<vmem>>, vector<16xf32>,
      tpu.vector_store %arg6[%swap3A_273], %broadcast_in_dim3A_233 {strides = array<i32>} : memref<4096xf32, #tpu.memory_space<vmem>>, vector<16xf32>,
      %mul3A_275 = arith.constant 128 : i32
      %mul3A_276 = arith.muli %scan3A_12, %mul3A_275 : i32
      %add3A_277 = arith.constant 112 : i32
      %add3A_278 = arith.addi %mul3A_276, %add3A_277 : i32
      %swap3A_279 = arith.index_cast %add3A_278 : i32 to index
      %swap3A_280 = tpu.vector_load %arg6[%swap3A_279] {strides = array<i32>} : memref<4096xf32, #tpu.memory_space<vmem>>, vector<16xf32>,
      tpu.vector_store %arg6[%swap3A_279], %broadcast_in_dim3A_233 {strides = array<i32>} : memref<4096xf32, #tpu.memory_space<vmem>>, vector<16xf32>,
      %mul3A_281 = arith.constant 16 : i32
      %mul3A_282 = arith.muli %scan3A_12, %mul3A_281 : i32
      %iota3A = tpu.iota {dimensions = array<i32: 0>} : vector<16xi32>
      %add3A_283 = vector.broadcast %mul3A_282 : i32 to vector<16xi32>
      %add3A_284 = arith.addi %add3A_283, %iota3A : vector<16xi32>
      %mul3A_285 = arith.constant 8 : i32
      %mul3A_286 = vector.broadcast %mul3A_285 : i32 to vector<16xi32>
      %mul3A_287 = arith.muli %add3A_284, %mul3A_286 : vector<16xi32>
      %add3A_288 = arith.addi %mul3A_287, %min3A_115 : vector<16xi32>
      tpu.vector_store_idx %arg6[%add3A_288], %div3A_230 : memref<4096xf32, #tpu.memory_space<vmem>>[vector<16xi32>], vector<16xf32>,
      %mul3A_289 = arith.constant 8 : i32
      %mul3A_290 = vector.broadcast %mul3A_289 : i32 to vector<16xi32>
      %mul3A_291 = arith.muli %add3A_284, %mul3A_290 : vector<16xi32>
      %add3A_292 = arith.addi %mul3A_291, %min3A_225 : vector<16xi32>
      tpu.vector_store_idx %arg6[%add3A_292], %mul3A_231 : memref<4096xf32, #tpu.memory_space<vmem>>[vector<16xi32>], vector<16xf32>,
      %mul3A_293 = arith.constant 2 : i32
      %mul3A_294 = vector.broadcast %mul3A_293 : i32 to vector<16xi32>
      %mul3A_295 = arith.muli %add3A_284, %mul3A_294 : vector<16xi32>
      tpu.vector_store_idx %arg7[%mul3A_295], %min3A_115 : memref<1024xi32, #tpu.memory_space<vmem>>[vector<16xi32>], vector<16xi32>,
      %mul3A_296 = arith.constant 2 : i32
      %mul3A_297 = vector.broadcast %mul3A_296 : i32 to vector<16xi32>
      %mul3A_298 = arith.muli %add3A_284, %mul3A_297 : vector<16xi32>
      %add3A_299 = arith.constant 1 : i32
      %add3A_300 = vector.broadcast %add3A_299 : i32 to vector<16xi32>
      %add3A_301 = arith.addi %mul3A_298, %add3A_300 : vector<16xi32>
      tpu.vector_store_idx %arg7[%add3A_301], %min3A_225 : memref<1024xi32, #tpu.memory_space<vmem>>[vector<16xi32>], vector<16xi32>,
    }
    %scan3A_7 = arith.constant 32 : i32
    %mul3A_8 = arith.constant 8 : i32
    %mul3A_9 = arith.muli %mul3A_2, %mul3A_8 : i32
    "tpu.region"() ({
      %run_scoped3A = tpu.sem_alloc : memref<!tpu.dma_semaphore, #tpu.memory_space<semaphore_mem>>
      %dma_start3A = tpu.memref_slice %arg3[%mul3A_9] : memref<131072xf32, #tpu.memory_space<hbm>> -> memref<4096xf32, #tpu.memory_space<hbm>>
      %dma_start3A_12 = tpu.memref_slice %arg3[%mul3A_9] : memref<131072xf32, #tpu.memory_space<hbm>> -> memref<4096xf32, #tpu.memory_space<hbm>>
      tpu.enqueue_dma source(%arg6 : memref<4096xf32, #tpu.memory_space<vmem>>) target(%dma_start3A_12 : memref<4096xf32, #tpu.memory_space<hbm>>) target_semaphore(%run_scoped3A : memref<!tpu.dma_semaphore, #tpu.memory_space<semaphore_mem>>)
      %dma_wait3A = tpu.memref_slice %arg3[%mul3A_9] : memref<131072xf32, #tpu.memory_space<hbm>> -> memref<4096xf32, #tpu.memory_space<hbm>>
      %dma_wait3A_13 = tpu.memref_slice %arg3[%mul3A_9] : memref<131072xf32, #tpu.memory_space<hbm>> -> memref<4096xf32, #tpu.memory_space<hbm>>
      tpu.wait_dma2 semaphore(%run_scoped3A : memref<!tpu.dma_semaphore, #tpu.memory_space<semaphore_mem>>) src(%arg6 : memref<4096xf32, #tpu.memory_space<vmem>>) dst(%dma_wait3A_13 : memref<4096xf32, #tpu.memory_space<hbm>>)
      tpu.yield
    }) : () -> ()
    %mul3A_10 = arith.constant 2 : i32
    %mul3A_11 = arith.muli %mul3A_2, %mul3A_10 : i32
    "tpu.region"() ({
      %run_scoped3A = tpu.sem_alloc : memref<!tpu.dma_semaphore, #tpu.memory_space<semaphore_mem>>
      %dma_start3A = tpu.memref_slice %arg4[%mul3A_11] : memref<32768xi32, #tpu.memory_space<hbm>> -> memref<1024xi32, #tpu.memory_space<hbm>>
      %dma_start3A_12 = tpu.memref_slice %arg4[%mul3A_11] : memref<32768xi32, #tpu.memory_space<hbm>> -> memref<1024xi32, #tpu.memory_space<hbm>>
      tpu.enqueue_dma source(%arg7 : memref<1024xi32, #tpu.memory_space<vmem>>) target(%dma_start3A_12 : memref<1024xi32, #tpu.memory_space<hbm>>) target_semaphore(%run_scoped3A : memref<!tpu.dma_semaphore, #tpu.memory_space<semaphore_mem>>)
      %dma_wait3A = tpu.memref_slice %arg4[%mul3A_11] : memref<32768xi32, #tpu.memory_space<hbm>> -> memref<1024xi32, #tpu.memory_space<hbm>>
      %dma_wait3A_13 = tpu.memref_slice %arg4[%mul3A_11] : memref<32768xi32, #tpu.memory_space<hbm>> -> memref<1024xi32, #tpu.memory_space<hbm>>
      tpu.wait_dma2 semaphore(%run_scoped3A : memref<!tpu.dma_semaphore, #tpu.memory_space<semaphore_mem>>) src(%arg7 : memref<1024xi32, #tpu.memory_space<vmem>>) dst(%dma_wait3A_13 : memref<1024xi32, #tpu.memory_space<hbm>>)
      tpu.yield
    }) : () -> ()
    return
  }
}

#map = affine_map<(d0, d1) -> (0, 0)>
#map1 = affine_map<(d0, d1) -> (0)>
module attributes {stable_mosaic.version = 14 : i64} {
  func.func @_sc_route(%arg0: i32, %arg1: i32, %arg2: memref<8x16384xf32, #tpu.memory_space<hbm>>, %arg3: memref<131072xf32, #tpu.memory_space<hbm>>, %arg4: memref<32768xi32, #tpu.memory_space<hbm>>, %arg5: memref<8x512xf32, #tpu.memory_space<vmem>>, %arg6: memref<4096xf32, #tpu.memory_space<vmem>>, %arg7: memref<1024xi32, #tpu.memory_space<vmem>>) attributes {dimension_semantics = [#tpu.dimension_semantics<core_parallel>, #tpu.dimension_semantics<subcore_parallel>], iteration_bounds = array<i64: 2, 16>, scalar_prefetch = 0 : i64, scratch_operands = 3 : i64, tpu.core_type = #tpu.core_type<sc_vector_subcore>, window_params = [{transform_indices = #map}, {transform_indices = #map1}, {transform_indices = #map1}]} {
    %mul3A = arith.constant 2 : i32
    %mul3A_0 = arith.muli %arg1, %mul3A : i32
    %add3A = arith.addi %mul3A_0, %arg0 : i32
    %mul3A_1 = arith.constant 512 : i32
    %mul3A_2 = arith.muli %add3A, %mul3A_1 : i32
    "tpu.region"() ({
      %run_scoped3A = tpu.sem_alloc : memref<!tpu.dma_semaphore, #tpu.memory_space<semaphore_mem>>
      %dma_start3A = arith.constant 0 : i32
      %dma_start3A_12 = tpu.memref_slice %arg2[%dma_start3A, %mul3A_2] : memref<8x16384xf32, #tpu.memory_space<hbm>> -> memref<8x512xf32, #tpu.memory_space<hbm>>
      %dma_start3A_13 = arith.constant 0 : i32
      %dma_start3A_14 = tpu.memref_slice %arg2[%dma_start3A_13, %mul3A_2] : memref<8x16384xf32, #tpu.memory_space<hbm>> -> memref<8x512xf32, #tpu.memory_space<hbm>>
      tpu.enqueue_dma source(%dma_start3A_14 : memref<8x512xf32, #tpu.memory_space<hbm>>) target(%arg5 : memref<8x512xf32, #tpu.memory_space<vmem>>) target_semaphore(%run_scoped3A : memref<!tpu.dma_semaphore, #tpu.memory_space<semaphore_mem>>)
      %dma_wait3A = arith.constant 0 : i32
      %dma_wait3A_15 = tpu.memref_slice %arg2[%dma_wait3A, %mul3A_2] : memref<8x16384xf32, #tpu.memory_space<hbm>> -> memref<8x512xf32, #tpu.memory_space<hbm>>
      %dma_wait3A_16 = arith.constant 0 : i32
      %dma_wait3A_17 = tpu.memref_slice %arg2[%dma_wait3A_16, %mul3A_2] : memref<8x16384xf32, #tpu.memory_space<hbm>> -> memref<8x512xf32, #tpu.memory_space<hbm>>
      tpu.wait_dma2 semaphore(%run_scoped3A : memref<!tpu.dma_semaphore, #tpu.memory_space<semaphore_mem>>) src(%dma_wait3A_17 : memref<8x512xf32, #tpu.memory_space<hbm>>) dst(%arg5 : memref<8x512xf32, #tpu.memory_space<vmem>>)
      tpu.yield
    }) : () -> ()
    %scan3A = arith.constant 0 : i32
    %scan3A_3 = arith.constant 0 : i32
    %scan3A_4 = arith.constant 32 : i32
    %scan3A_5 = arith.addi %scan3A_3, %scan3A_4 : i32
    %scan3A_6 = arith.constant 1 : i32
    scf.for %scan3A_12 = %scan3A_3 to %scan3A_5 step %scan3A_6  : i32 {
      %mul3A_13 = arith.constant 16 : i32
      %mul3A_14 = arith.muli %scan3A_12, %mul3A_13 : i32
      %get3A = arith.constant 0 : i32
      %get3A_15 = arith.index_cast %get3A : i32 to index
      %get3A_16 = arith.index_cast %mul3A_14 : i32 to index
      %get3A_17 = tpu.vector_load %arg5[%get3A_15, %get3A_16] {strides = array<i32>} : memref<8x512xf32, #tpu.memory_space<vmem>>, vector<16xf32>,
      %mul3A_18 = arith.constant 16 : i32
      %mul3A_19 = arith.muli %scan3A_12, %mul3A_18 : i32
      %get3A_20 = arith.constant 1 : i32
      %get3A_21 = arith.index_cast %get3A_20 : i32 to index
      %get3A_22 = arith.index_cast %mul3A_19 : i32 to index
      %get3A_23 = tpu.vector_load %arg5[%get3A_21, %get3A_22] {strides = array<i32>} : memref<8x512xf32, #tpu.memory_space<vmem>>, vector<16xf32>,
      %mul3A_24 = arith.constant 16 : i32
      %mul3A_25 = arith.muli %scan3A_12, %mul3A_24 : i32
      %get3A_26 = arith.constant 2 : i32
      %get3A_27 = arith.index_cast %get3A_26 : i32 to index
      %get3A_28 = arith.index_cast %mul3A_25 : i32 to index
      %get3A_29 = tpu.vector_load %arg5[%get3A_27, %get3A_28] {strides = array<i32>} : memref<8x512xf32, #tpu.memory_space<vmem>>, vector<16xf32>,
      %mul3A_30 = arith.constant 16 : i32
      %mul3A_31 = arith.muli %scan3A_12, %mul3A_30 : i32
      %get3A_32 = arith.constant 3 : i32
      %get3A_33 = arith.index_cast %get3A_32 : i32 to index
      %get3A_34 = arith.index_cast %mul3A_31 : i32 to index
      %get3A_35 = tpu.vector_load %arg5[%get3A_33, %get3A_34] {strides = array<i32>} : memref<8x512xf32, #tpu.memory_space<vmem>>, vector<16xf32>,
      %mul3A_36 = arith.constant 16 : i32
      %mul3A_37 = arith.muli %scan3A_12, %mul3A_36 : i32
      %get3A_38 = arith.constant 4 : i32
      %get3A_39 = arith.index_cast %get3A_38 : i32 to index
      %get3A_40 = arith.index_cast %mul3A_37 : i32 to index
      %get3A_41 = tpu.vector_load %arg5[%get3A_39, %get3A_40] {strides = array<i32>} : memref<8x512xf32, #tpu.memory_space<vmem>>, vector<16xf32>,
      %mul3A_42 = arith.constant 16 : i32
      %mul3A_43 = arith.muli %scan3A_12, %mul3A_42 : i32
      %get3A_44 = arith.constant 5 : i32
      %get3A_45 = arith.index_cast %get3A_44 : i32 to index
      %get3A_46 = arith.index_cast %mul3A_43 : i32 to index
      %get3A_47 = tpu.vector_load %arg5[%get3A_45, %get3A_46] {strides = array<i32>} : memref<8x512xf32, #tpu.memory_space<vmem>>, vector<16xf32>,
      %mul3A_48 = arith.constant 16 : i32
      %mul3A_49 = arith.muli %scan3A_12, %mul3A_48 : i32
      %get3A_50 = arith.constant 6 : i32
      %get3A_51 = arith.index_cast %get3A_50 : i32 to index
      %get3A_52 = arith.index_cast %mul3A_49 : i32 to index
      %get3A_53 = tpu.vector_load %arg5[%get3A_51, %get3A_52] {strides = array<i32>} : memref<8x512xf32, #tpu.memory_space<vmem>>, vector<16xf32>,
      %mul3A_54 = arith.constant 16 : i32
      %mul3A_55 = arith.muli %scan3A_12, %mul3A_54 : i32
      %get3A_56 = arith.constant 7 : i32
      %get3A_57 = arith.index_cast %get3A_56 : i32 to index
      %get3A_58 = arith.index_cast %mul3A_55 : i32 to index
      %get3A_59 = tpu.vector_load %arg5[%get3A_57, %get3A_58] {strides = array<i32>} : memref<8x512xf32, #tpu.memory_space<vmem>>, vector<16xf32>,
      %max3A = arith.maximumf %get3A_17, %get3A_23 : vector<16xf32>
      %max3A_60 = arith.maximumf %max3A, %get3A_29 : vector<16xf32>
      %max3A_61 = arith.maximumf %max3A_60, %get3A_35 : vector<16xf32>
      %max3A_62 = arith.maximumf %max3A_61, %get3A_41 : vector<16xf32>
      %max3A_63 = arith.maximumf %max3A_62, %get3A_47 : vector<16xf32>
      %max3A_64 = arith.maximumf %max3A_63, %get3A_53 : vector<16xf32>
      %max3A_65 = arith.maximumf %max3A_64, %get3A_59 : vector<16xf32>
      %eq3A = arith.cmpf oeq, %get3A_17, %max3A_65 : vector<16xf32>
      %jit3A = arith.constant 0 : i32
      %jit3A_66 = arith.constant 8 : i32
      %broadcast_in_dim3A = vector.broadcast %jit3A : i32 to vector<16xi32>
      %broadcast_in_dim3A_67 = vector.broadcast %jit3A_66 : i32 to vector<16xi32>
      %select_n3A = arith.select %eq3A, %broadcast_in_dim3A, %broadcast_in_dim3A_67 : vector<16xi1>, vector<16xi32>
      %eq3A_68 = arith.cmpf oeq, %get3A_23, %max3A_65 : vector<16xf32>
      %jit3A_69 = arith.constant 1 : i32
      %jit3A_70 = arith.constant 8 : i32
      %broadcast_in_dim3A_71 = vector.broadcast %jit3A_69 : i32 to vector<16xi32>
      %broadcast_in_dim3A_72 = vector.broadcast %jit3A_70 : i32 to vector<16xi32>
      %select_n3A_73 = arith.select %eq3A_68, %broadcast_in_dim3A_71, %broadcast_in_dim3A_72 : vector<16xi1>, vector<16xi32>
      %min3A = arith.minsi %select_n3A, %select_n3A_73 : vector<16xi32>
      %eq3A_74 = arith.cmpf oeq, %get3A_29, %max3A_65 : vector<16xf32>
      %jit3A_75 = arith.constant 2 : i32
      %jit3A_76 = arith.constant 8 : i32
      %broadcast_in_dim3A_77 = vector.broadcast %jit3A_75 : i32 to vector<16xi32>
      %broadcast_in_dim3A_78 = vector.broadcast %jit3A_76 : i32 to vector<16xi32>
      %select_n3A_79 = arith.select %eq3A_74, %broadcast_in_dim3A_77, %broadcast_in_dim3A_78 : vector<16xi1>, vector<16xi32>
      %min3A_80 = arith.minsi %min3A, %select_n3A_79 : vector<16xi32>
      %eq3A_81 = arith.cmpf oeq, %get3A_35, %max3A_65 : vector<16xf32>
      %jit3A_82 = arith.constant 3 : i32
      %jit3A_83 = arith.constant 8 : i32
      %broadcast_in_dim3A_84 = vector.broadcast %jit3A_82 : i32 to vector<16xi32>
      %broadcast_in_dim3A_85 = vector.broadcast %jit3A_83 : i32 to vector<16xi32>
      %select_n3A_86 = arith.select %eq3A_81, %broadcast_in_dim3A_84, %broadcast_in_dim3A_85 : vector<16xi1>, vector<16xi32>
      %min3A_87 = arith.minsi %min3A_80, %select_n3A_86 : vector<16xi32>
      %eq3A_88 = arith.cmpf oeq, %get3A_41, %max3A_65 : vector<16xf32>
      %jit3A_89 = arith.constant 4 : i32
      %jit3A_90 = arith.constant 8 : i32
      %broadcast_in_dim3A_91 = vector.broadcast %jit3A_89 : i32 to vector<16xi32>
      %broadcast_in_dim3A_92 = vector.broadcast %jit3A_90 : i32 to vector<16xi32>
      %select_n3A_93 = arith.select %eq3A_88, %broadcast_in_dim3A_91, %broadcast_in_dim3A_92 : vector<16xi1>, vector<16xi32>
      %min3A_94 = arith.minsi %min3A_87, %select_n3A_93 : vector<16xi32>
      %eq3A_95 = arith.cmpf oeq, %get3A_47, %max3A_65 : vector<16xf32>
      %jit3A_96 = arith.constant 5 : i32
      %jit3A_97 = arith.constant 8 : i32
      %broadcast_in_dim3A_98 = vector.broadcast %jit3A_96 : i32 to vector<16xi32>
      %broadcast_in_dim3A_99 = vector.broadcast %jit3A_97 : i32 to vector<16xi32>
      %select_n3A_100 = arith.select %eq3A_95, %broadcast_in_dim3A_98, %broadcast_in_dim3A_99 : vector<16xi1>, vector<16xi32>
      %min3A_101 = arith.minsi %min3A_94, %select_n3A_100 : vector<16xi32>
      %eq3A_102 = arith.cmpf oeq, %get3A_53, %max3A_65 : vector<16xf32>
      %jit3A_103 = arith.constant 6 : i32
      %jit3A_104 = arith.constant 8 : i32
      %broadcast_in_dim3A_105 = vector.broadcast %jit3A_103 : i32 to vector<16xi32>
      %broadcast_in_dim3A_106 = vector.broadcast %jit3A_104 : i32 to vector<16xi32>
      %select_n3A_107 = arith.select %eq3A_102, %broadcast_in_dim3A_105, %broadcast_in_dim3A_106 : vector<16xi1>, vector<16xi32>
      %min3A_108 = arith.minsi %min3A_101, %select_n3A_107 : vector<16xi32>
      %eq3A_109 = arith.cmpf oeq, %get3A_59, %max3A_65 : vector<16xf32>
      %jit3A_110 = arith.constant 7 : i32
      %jit3A_111 = arith.constant 8 : i32
      %broadcast_in_dim3A_112 = vector.broadcast %jit3A_110 : i32 to vector<16xi32>
      %broadcast_in_dim3A_113 = vector.broadcast %jit3A_111 : i32 to vector<16xi32>
      %select_n3A_114 = arith.select %eq3A_109, %broadcast_in_dim3A_112, %broadcast_in_dim3A_113 : vector<16xi1>, vector<16xi32>
      %min3A_115 = arith.minsi %min3A_108, %select_n3A_114 : vector<16xi32>
      %eq3A_116 = arith.constant 0 : i32
      %eq3A_117 = vector.broadcast %eq3A_116 : i32 to vector<16xi32>
      %eq3A_118 = arith.cmpi eq, %min3A_115, %eq3A_117 : vector<16xi32>
      %jit3A_119 = arith.constant -3.000000e+38 : f32
      %broadcast_in_dim3A_120 = vector.broadcast %jit3A_119 : f32 to vector<16xf32>
      %select_n3A_121 = arith.select %eq3A_118, %broadcast_in_dim3A_120, %get3A_17 : vector<16xi1>, vector<16xf32>
      %eq3A_122 = arith.constant 1 : i32
      %eq3A_123 = vector.broadcast %eq3A_122 : i32 to vector<16xi32>
      %eq3A_124 = arith.cmpi eq, %min3A_115, %eq3A_123 : vector<16xi32>
      %jit3A_125 = arith.constant -3.000000e+38 : f32
      %broadcast_in_dim3A_126 = vector.broadcast %jit3A_125 : f32 to vector<16xf32>
      %select_n3A_127 = arith.select %eq3A_124, %broadcast_in_dim3A_126, %get3A_23 : vector<16xi1>, vector<16xf32>
      %eq3A_128 = arith.constant 2 : i32
      %eq3A_129 = vector.broadcast %eq3A_128 : i32 to vector<16xi32>
      %eq3A_130 = arith.cmpi eq, %min3A_115, %eq3A_129 : vector<16xi32>
      %jit3A_131 = arith.constant -3.000000e+38 : f32
      %broadcast_in_dim3A_132 = vector.broadcast %jit3A_131 : f32 to vector<16xf32>
      %select_n3A_133 = arith.select %eq3A_130, %broadcast_in_dim3A_132, %get3A_29 : vector<16xi1>, vector<16xf32>
      %eq3A_134 = arith.constant 3 : i32
      %eq3A_135 = vector.broadcast %eq3A_134 : i32 to vector<16xi32>
      %eq3A_136 = arith.cmpi eq, %min3A_115, %eq3A_135 : vector<16xi32>
      %jit3A_137 = arith.constant -3.000000e+38 : f32
      %broadcast_in_dim3A_138 = vector.broadcast %jit3A_137 : f32 to vector<16xf32>
      %select_n3A_139 = arith.select %eq3A_136, %broadcast_in_dim3A_138, %get3A_35 : vector<16xi1>, vector<16xf32>
      %eq3A_140 = arith.constant 4 : i32
      %eq3A_141 = vector.broadcast %eq3A_140 : i32 to vector<16xi32>
      %eq3A_142 = arith.cmpi eq, %min3A_115, %eq3A_141 : vector<16xi32>
      %jit3A_143 = arith.constant -3.000000e+38 : f32
      %broadcast_in_dim3A_144 = vector.broadcast %jit3A_143 : f32 to vector<16xf32>
      %select_n3A_145 = arith.select %eq3A_142, %broadcast_in_dim3A_144, %get3A_41 : vector<16xi1>, vector<16xf32>
      %eq3A_146 = arith.constant 5 : i32
      %eq3A_147 = vector.broadcast %eq3A_146 : i32 to vector<16xi32>
      %eq3A_148 = arith.cmpi eq, %min3A_115, %eq3A_147 : vector<16xi32>
      %jit3A_149 = arith.constant -3.000000e+38 : f32
      %broadcast_in_dim3A_150 = vector.broadcast %jit3A_149 : f32 to vector<16xf32>
      %select_n3A_151 = arith.select %eq3A_148, %broadcast_in_dim3A_150, %get3A_47 : vector<16xi1>, vector<16xf32>
      %eq3A_152 = arith.constant 6 : i32
      %eq3A_153 = vector.broadcast %eq3A_152 : i32 to vector<16xi32>
      %eq3A_154 = arith.cmpi eq, %min3A_115, %eq3A_153 : vector<16xi32>
      %jit3A_155 = arith.constant -3.000000e+38 : f32
      %broadcast_in_dim3A_156 = vector.broadcast %jit3A_155 : f32 to vector<16xf32>
      %select_n3A_157 = arith.select %eq3A_154, %broadcast_in_dim3A_156, %get3A_53 : vector<16xi1>, vector<16xf32>
      %eq3A_158 = arith.constant 7 : i32
      %eq3A_159 = vector.broadcast %eq3A_158 : i32 to vector<16xi32>
      %eq3A_160 = arith.cmpi eq, %min3A_115, %eq3A_159 : vector<16xi32>
      %jit3A_161 = arith.constant -3.000000e+38 : f32
      %broadcast_in_dim3A_162 = vector.broadcast %jit3A_161 : f32 to vector<16xf32>
      %select_n3A_163 = arith.select %eq3A_160, %broadcast_in_dim3A_162, %get3A_59 : vector<16xi1>, vector<16xf32>
      %max3A_164 = arith.maximumf %select_n3A_121, %select_n3A_127 : vector<16xf32>
      %max3A_165 = arith.maximumf %max3A_164, %select_n3A_133 : vector<16xf32>
      %max3A_166 = arith.maximumf %max3A_165, %select_n3A_139 : vector<16xf32>
      %max3A_167 = arith.maximumf %max3A_166, %select_n3A_145 : vector<16xf32>
      %max3A_168 = arith.maximumf %max3A_167, %select_n3A_151 : vector<16xf32>
      %max3A_169 = arith.maximumf %max3A_168, %select_n3A_157 : vector<16xf32>
      %max3A_170 = arith.maximumf %max3A_169, %select_n3A_163 : vector<16xf32>
      %eq3A_171 = arith.cmpf oeq, %select_n3A_121, %max3A_170 : vector<16xf32>
      %jit3A_172 = arith.constant 0 : i32
      %jit3A_173 = arith.constant 8 : i32
      %broadcast_in_dim3A_174 = vector.broadcast %jit3A_172 : i32 to vector<16xi32>
      %broadcast_in_dim3A_175 = vector.broadcast %jit3A_173 : i32 to vector<16xi32>
      %select_n3A_176 = arith.select %eq3A_171, %broadcast_in_dim3A_174, %broadcast_in_dim3A_175 : vector<16xi1>, vector<16xi32>
      %eq3A_177 = arith.cmpf oeq, %select_n3A_127, %max3A_170 : vector<16xf32>
      %jit3A_178 = arith.constant 1 : i32
      %jit3A_179 = arith.constant 8 : i32
      %broadcast_in_dim3A_180 = vector.broadcast %jit3A_178 : i32 to vector<16xi32>
      %broadcast_in_dim3A_181 = vector.broadcast %jit3A_179 : i32 to vector<16xi32>
      %select_n3A_182 = arith.select %eq3A_177, %broadcast_in_dim3A_180, %broadcast_in_dim3A_181 : vector<16xi1>, vector<16xi32>
      %min3A_183 = arith.minsi %select_n3A_176, %select_n3A_182 : vector<16xi32>
      %eq3A_184 = arith.cmpf oeq, %select_n3A_133, %max3A_170 : vector<16xf32>
      %jit3A_185 = arith.constant 2 : i32
      %jit3A_186 = arith.constant 8 : i32
      %broadcast_in_dim3A_187 = vector.broadcast %jit3A_185 : i32 to vector<16xi32>
      %broadcast_in_dim3A_188 = vector.broadcast %jit3A_186 : i32 to vector<16xi32>
      %select_n3A_189 = arith.select %eq3A_184, %broadcast_in_dim3A_187, %broadcast_in_dim3A_188 : vector<16xi1>, vector<16xi32>
      %min3A_190 = arith.minsi %min3A_183, %select_n3A_189 : vector<16xi32>
      %eq3A_191 = arith.cmpf oeq, %select_n3A_139, %max3A_170 : vector<16xf32>
      %jit3A_192 = arith.constant 3 : i32
      %jit3A_193 = arith.constant 8 : i32
      %broadcast_in_dim3A_194 = vector.broadcast %jit3A_192 : i32 to vector<16xi32>
      %broadcast_in_dim3A_195 = vector.broadcast %jit3A_193 : i32 to vector<16xi32>
      %select_n3A_196 = arith.select %eq3A_191, %broadcast_in_dim3A_194, %broadcast_in_dim3A_195 : vector<16xi1>, vector<16xi32>
      %min3A_197 = arith.minsi %min3A_190, %select_n3A_196 : vector<16xi32>
      %eq3A_198 = arith.cmpf oeq, %select_n3A_145, %max3A_170 : vector<16xf32>
      %jit3A_199 = arith.constant 4 : i32
      %jit3A_200 = arith.constant 8 : i32
      %broadcast_in_dim3A_201 = vector.broadcast %jit3A_199 : i32 to vector<16xi32>
      %broadcast_in_dim3A_202 = vector.broadcast %jit3A_200 : i32 to vector<16xi32>
      %select_n3A_203 = arith.select %eq3A_198, %broadcast_in_dim3A_201, %broadcast_in_dim3A_202 : vector<16xi1>, vector<16xi32>
      %min3A_204 = arith.minsi %min3A_197, %select_n3A_203 : vector<16xi32>
      %eq3A_205 = arith.cmpf oeq, %select_n3A_151, %max3A_170 : vector<16xf32>
      %jit3A_206 = arith.constant 5 : i32
      %jit3A_207 = arith.constant 8 : i32
      %broadcast_in_dim3A_208 = vector.broadcast %jit3A_206 : i32 to vector<16xi32>
      %broadcast_in_dim3A_209 = vector.broadcast %jit3A_207 : i32 to vector<16xi32>
      %select_n3A_210 = arith.select %eq3A_205, %broadcast_in_dim3A_208, %broadcast_in_dim3A_209 : vector<16xi1>, vector<16xi32>
      %min3A_211 = arith.minsi %min3A_204, %select_n3A_210 : vector<16xi32>
      %eq3A_212 = arith.cmpf oeq, %select_n3A_157, %max3A_170 : vector<16xf32>
      %jit3A_213 = arith.constant 6 : i32
      %jit3A_214 = arith.constant 8 : i32
      %broadcast_in_dim3A_215 = vector.broadcast %jit3A_213 : i32 to vector<16xi32>
      %broadcast_in_dim3A_216 = vector.broadcast %jit3A_214 : i32 to vector<16xi32>
      %select_n3A_217 = arith.select %eq3A_212, %broadcast_in_dim3A_215, %broadcast_in_dim3A_216 : vector<16xi1>, vector<16xi32>
      %min3A_218 = arith.minsi %min3A_211, %select_n3A_217 : vector<16xi32>
      %eq3A_219 = arith.cmpf oeq, %select_n3A_163, %max3A_170 : vector<16xf32>
      %jit3A_220 = arith.constant 7 : i32
      %jit3A_221 = arith.constant 8 : i32
      %broadcast_in_dim3A_222 = vector.broadcast %jit3A_220 : i32 to vector<16xi32>
      %broadcast_in_dim3A_223 = vector.broadcast %jit3A_221 : i32 to vector<16xi32>
      %select_n3A_224 = arith.select %eq3A_219, %broadcast_in_dim3A_222, %broadcast_in_dim3A_223 : vector<16xi1>, vector<16xi32>
      %min3A_225 = arith.minsi %min3A_218, %select_n3A_224 : vector<16xi32>
      %sub3A = arith.subf %max3A_170, %max3A_65 : vector<16xf32>
      %exp3A = math.exp %sub3A : vector<16xf32>
      %add3A_226 = arith.constant 1.000000e+00 : f32
      %add3A_227 = vector.broadcast %add3A_226 : f32 to vector<16xf32>
      %add3A_228 = arith.addf %add3A_227, %exp3A : vector<16xf32>
      %div3A = arith.constant 1.000000e+00 : f32
      %div3A_229 = vector.broadcast %div3A : f32 to vector<16xf32>
      %div3A_230 = arith.divf %div3A_229, %add3A_228 : vector<16xf32>
      %mul3A_231 = arith.mulf %exp3A, %div3A_230 : vector<16xf32>
      %broadcast_in_dim3A_232 = arith.constant 0.000000e+00 : f32
      %broadcast_in_dim3A_233 = vector.broadcast %broadcast_in_dim3A_232 : f32 to vector<16xf32>
      %mul3A_234 = arith.constant 128 : i32
      %mul3A_235 = arith.muli %scan3A_12, %mul3A_234 : i32
      %add3A_236 = arith.constant 0 : i32
      %add3A_237 = arith.addi %mul3A_235, %add3A_236 : i32
      %swap3A = arith.index_cast %add3A_237 : i32 to index
      %swap3A_238 = tpu.vector_load %arg6[%swap3A] {strides = array<i32>} : memref<4096xf32, #tpu.memory_space<vmem>>, vector<16xf32>,
      tpu.vector_store %arg6[%swap3A], %broadcast_in_dim3A_233 {strides = array<i32>} : memref<4096xf32, #tpu.memory_space<vmem>>, vector<16xf32>,
      %mul3A_239 = arith.constant 128 : i32
      %mul3A_240 = arith.muli %scan3A_12, %mul3A_239 : i32
      %add3A_241 = arith.constant 16 : i32
      %add3A_242 = arith.addi %mul3A_240, %add3A_241 : i32
      %swap3A_243 = arith.index_cast %add3A_242 : i32 to index
      %swap3A_244 = tpu.vector_load %arg6[%swap3A_243] {strides = array<i32>} : memref<4096xf32, #tpu.memory_space<vmem>>, vector<16xf32>,
      tpu.vector_store %arg6[%swap3A_243], %broadcast_in_dim3A_233 {strides = array<i32>} : memref<4096xf32, #tpu.memory_space<vmem>>, vector<16xf32>,
      %mul3A_245 = arith.constant 128 : i32
      %mul3A_246 = arith.muli %scan3A_12, %mul3A_245 : i32
      %add3A_247 = arith.constant 32 : i32
      %add3A_248 = arith.addi %mul3A_246, %add3A_247 : i32
      %swap3A_249 = arith.index_cast %add3A_248 : i32 to index
      %swap3A_250 = tpu.vector_load %arg6[%swap3A_249] {strides = array<i32>} : memref<4096xf32, #tpu.memory_space<vmem>>, vector<16xf32>,
      tpu.vector_store %arg6[%swap3A_249], %broadcast_in_dim3A_233 {strides = array<i32>} : memref<4096xf32, #tpu.memory_space<vmem>>, vector<16xf32>,
      %mul3A_251 = arith.constant 128 : i32
      %mul3A_252 = arith.muli %scan3A_12, %mul3A_251 : i32
      %add3A_253 = arith.constant 48 : i32
      %add3A_254 = arith.addi %mul3A_252, %add3A_253 : i32
      %swap3A_255 = arith.index_cast %add3A_254 : i32 to index
      %swap3A_256 = tpu.vector_load %arg6[%swap3A_255] {strides = array<i32>} : memref<4096xf32, #tpu.memory_space<vmem>>, vector<16xf32>,
      tpu.vector_store %arg6[%swap3A_255], %broadcast_in_dim3A_233 {strides = array<i32>} : memref<4096xf32, #tpu.memory_space<vmem>>, vector<16xf32>,
      %mul3A_257 = arith.constant 128 : i32
      %mul3A_258 = arith.muli %scan3A_12, %mul3A_257 : i32
      %add3A_259 = arith.constant 64 : i32
      %add3A_260 = arith.addi %mul3A_258, %add3A_259 : i32
      %swap3A_261 = arith.index_cast %add3A_260 : i32 to index
      %swap3A_262 = tpu.vector_load %arg6[%swap3A_261] {strides = array<i32>} : memref<4096xf32, #tpu.memory_space<vmem>>, vector<16xf32>,
      tpu.vector_store %arg6[%swap3A_261], %broadcast_in_dim3A_233 {strides = array<i32>} : memref<4096xf32, #tpu.memory_space<vmem>>, vector<16xf32>,
      %mul3A_263 = arith.constant 128 : i32
      %mul3A_264 = arith.muli %scan3A_12, %mul3A_263 : i32
      %add3A_265 = arith.constant 80 : i32
      %add3A_266 = arith.addi %mul3A_264, %add3A_265 : i32
      %swap3A_267 = arith.index_cast %add3A_266 : i32 to index
      %swap3A_268 = tpu.vector_load %arg6[%swap3A_267] {strides = array<i32>} : memref<4096xf32, #tpu.memory_space<vmem>>, vector<16xf32>,
      tpu.vector_store %arg6[%swap3A_267], %broadcast_in_dim3A_233 {strides = array<i32>} : memref<4096xf32, #tpu.memory_space<vmem>>, vector<16xf32>,
      %mul3A_269 = arith.constant 128 : i32
      %mul3A_270 = arith.muli %scan3A_12, %mul3A_269 : i32
      %add3A_271 = arith.constant 96 : i32
      %add3A_272 = arith.addi %mul3A_270, %add3A_271 : i32
      %swap3A_273 = arith.index_cast %add3A_272 : i32 to index
      %swap3A_274 = tpu.vector_load %arg6[%swap3A_273] {strides = array<i32>} : memref<4096xf32, #tpu.memory_space<vmem>>, vector<16xf32>,
      tpu.vector_store %arg6[%swap3A_273], %broadcast_in_dim3A_233 {strides = array<i32>} : memref<4096xf32, #tpu.memory_space<vmem>>, vector<16xf32>,
      %mul3A_275 = arith.constant 128 : i32
      %mul3A_276 = arith.muli %scan3A_12, %mul3A_275 : i32
      %add3A_277 = arith.constant 112 : i32
      %add3A_278 = arith.addi %mul3A_276, %add3A_277 : i32
      %swap3A_279 = arith.index_cast %add3A_278 : i32 to index
      %swap3A_280 = tpu.vector_load %arg6[%swap3A_279] {strides = array<i32>} : memref<4096xf32, #tpu.memory_space<vmem>>, vector<16xf32>,
      tpu.vector_store %arg6[%swap3A_279], %broadcast_in_dim3A_233 {strides = array<i32>} : memref<4096xf32, #tpu.memory_space<vmem>>, vector<16xf32>,
      %mul3A_281 = arith.constant 16 : i32
      %mul3A_282 = arith.muli %scan3A_12, %mul3A_281 : i32
      %iota3A = tpu.iota {dimensions = array<i32: 0>} : vector<16xi32>
      %add3A_283 = vector.broadcast %mul3A_282 : i32 to vector<16xi32>
      %add3A_284 = arith.addi %add3A_283, %iota3A : vector<16xi32>
      %mul3A_285 = arith.constant 8 : i32
      %mul3A_286 = vector.broadcast %mul3A_285 : i32 to vector<16xi32>
      %mul3A_287 = arith.muli %add3A_284, %mul3A_286 : vector<16xi32>
      %add3A_288 = arith.addi %mul3A_287, %min3A_115 : vector<16xi32>
      tpu.vector_store_idx %arg6[%add3A_288], %div3A_230 : memref<4096xf32, #tpu.memory_space<vmem>>[vector<16xi32>], vector<16xf32>,
      %mul3A_289 = arith.constant 8 : i32
      %mul3A_290 = vector.broadcast %mul3A_289 : i32 to vector<16xi32>
      %mul3A_291 = arith.muli %add3A_284, %mul3A_290 : vector<16xi32>
      %add3A_292 = arith.addi %mul3A_291, %min3A_225 : vector<16xi32>
      tpu.vector_store_idx %arg6[%add3A_292], %mul3A_231 : memref<4096xf32, #tpu.memory_space<vmem>>[vector<16xi32>], vector<16xf32>,
      %mul3A_293 = arith.constant 2 : i32
      %mul3A_294 = vector.broadcast %mul3A_293 : i32 to vector<16xi32>
      %mul3A_295 = arith.muli %add3A_284, %mul3A_294 : vector<16xi32>
      tpu.vector_store_idx %arg7[%mul3A_295], %min3A_115 : memref<1024xi32, #tpu.memory_space<vmem>>[vector<16xi32>], vector<16xi32>,
      %mul3A_296 = arith.constant 2 : i32
      %mul3A_297 = vector.broadcast %mul3A_296 : i32 to vector<16xi32>
      %mul3A_298 = arith.muli %add3A_284, %mul3A_297 : vector<16xi32>
      %add3A_299 = arith.constant 1 : i32
      %add3A_300 = vector.broadcast %add3A_299 : i32 to vector<16xi32>
      %add3A_301 = arith.addi %mul3A_298, %add3A_300 : vector<16xi32>
      tpu.vector_store_idx %arg7[%add3A_301], %min3A_225 : memref<1024xi32, #tpu.memory_space<vmem>>[vector<16xi32>], vector<16xi32>,
    }
    %scan3A_7 = arith.constant 32 : i32
    %mul3A_8 = arith.constant 8 : i32
    %mul3A_9 = arith.muli %mul3A_2, %mul3A_8 : i32
    "tpu.region"() ({
      %run_scoped3A = tpu.sem_alloc : memref<!tpu.dma_semaphore, #tpu.memory_space<semaphore_mem>>
      %dma_start3A = tpu.memref_slice %arg3[%mul3A_9] : memref<131072xf32, #tpu.memory_space<hbm>> -> memref<4096xf32, #tpu.memory_space<hbm>>
      %dma_start3A_12 = tpu.memref_slice %arg3[%mul3A_9] : memref<131072xf32, #tpu.memory_space<hbm>> -> memref<4096xf32, #tpu.memory_space<hbm>>
      tpu.enqueue_dma source(%arg6 : memref<4096xf32, #tpu.memory_space<vmem>>) target(%dma_start3A_12 : memref<4096xf32, #tpu.memory_space<hbm>>) target_semaphore(%run_scoped3A : memref<!tpu.dma_semaphore, #tpu.memory_space<semaphore_mem>>)
      %dma_wait3A = tpu.memref_slice %arg3[%mul3A_9] : memref<131072xf32, #tpu.memory_space<hbm>> -> memref<4096xf32, #tpu.memory_space<hbm>>
      %dma_wait3A_13 = tpu.memref_slice %arg3[%mul3A_9] : memref<131072xf32, #tpu.memory_space<hbm>> -> memref<4096xf32, #tpu.memory_space<hbm>>
      tpu.wait_dma2 semaphore(%run_scoped3A : memref<!tpu.dma_semaphore, #tpu.memory_space<semaphore_mem>>) src(%arg6 : memref<4096xf32, #tpu.memory_space<vmem>>) dst(%dma_wait3A_13 : memref<4096xf32, #tpu.memory_space<hbm>>)
      tpu.yield
    }) : () -> ()
    %mul3A_10 = arith.constant 2 : i32
    %mul3A_11 = arith.muli %mul3A_2, %mul3A_10 : i32
    "tpu.region"() ({
      %run_scoped3A = tpu.sem_alloc : memref<!tpu.dma_semaphore, #tpu.memory_space<semaphore_mem>>
      %dma_start3A = tpu.memref_slice %arg4[%mul3A_11] : memref<32768xi32, #tpu.memory_space<hbm>> -> memref<1024xi32, #tpu.memory_space<hbm>>
      %dma_start3A_12 = tpu.memref_slice %arg4[%mul3A_11] : memref<32768xi32, #tpu.memory_space<hbm>> -> memref<1024xi32, #tpu.memory_space<hbm>>
      tpu.enqueue_dma source(%arg7 : memref<1024xi32, #tpu.memory_space<vmem>>) target(%dma_start3A_12 : memref<1024xi32, #tpu.memory_space<hbm>>) target_semaphore(%run_scoped3A : memref<!tpu.dma_semaphore, #tpu.memory_space<semaphore_mem>>)
      %dma_wait3A = tpu.memref_slice %arg4[%mul3A_11] : memref<32768xi32, #tpu.memory_space<hbm>> -> memref<1024xi32, #tpu.memory_space<hbm>>
      %dma_wait3A_13 = tpu.memref_slice %arg4[%mul3A_11] : memref<32768xi32, #tpu.memory_space<hbm>> -> memref<1024xi32, #tpu.memory_space<hbm>>
      tpu.wait_dma2 semaphore(%run_scoped3A : memref<!tpu.dma_semaphore, #tpu.memory_space<semaphore_mem>>) src(%arg7 : memref<1024xi32, #tpu.memory_space<vmem>>) dst(%dma_wait3A_13 : memref<1024xi32, #tpu.memory_space<hbm>>)
      tpu.yield
    }) : () -> ()
    return
  }
}

module attributes {stable_mosaic.version = 14 : i64} {
  func.func @_logits_block(%arg0: i32, %arg1: memref<8x768xf32, #tpu.memory_space<vmem>>, %arg2: memref<8x1xf32, #tpu.memory_space<vmem>>, %arg3: memref<4096x768xf32, #tpu.memory_space<vmem>>, %arg4: memref<8x4096xf32, #tpu.memory_space<vmem>>) attributes {dimension_semantics = [#tpu.dimension_semantics<parallel>], iteration_bounds = array<i64: 4>, scalar_prefetch = 0 : i64, scratch_operands = 0 : i64, tpu.core_type = #tpu.core_type<tc>, window_params = [{pipeline_mode = #tpu.pipeline_mode<synchronous>, transform_indices = @transform_0, window_bounds = array<i64: 8, 768>}, {pipeline_mode = #tpu.pipeline_mode<synchronous>, transform_indices = @transform_1, window_bounds = array<i64: 8, 1>}, {transform_indices = @transform_2, window_bounds = array<i64: 4096, 768>}, {transform_indices = @transform_3, window_bounds = array<i64: 8, 4096>}]} {
    %get3A = arith.constant 0 : index
    %get3A_0 = arith.constant 0 : index
    %get3A_1 = vector.load %arg3[%get3A, %get3A_0] : memref<4096x768xf32, #tpu.memory_space<vmem>>, vector<4096x768xf32>
    %get3A_2 = arith.constant 0 : index
    %get3A_3 = arith.constant 0 : index
    %get3A_4 = vector.load %arg1[%get3A_2, %get3A_3] : memref<8x768xf32, #tpu.memory_space<vmem>>, vector<8x768xf32>
    %dot_general3A = arith.constant dense<0.000000e+00> : vector<8x4096xf32>
    %dot_general3A_5 = tpu.matmul %get3A_4, %get3A_1, %dot_general3A {dimension_numbers = #tpu.dot_dimension_numbers<[1], [1], [0], [0], [0, 0, 1, 0], [], []>, transpose_lhs_hint = false} : vector<8x768xf32>, vector<4096x768xf32>, vector<8x4096xf32> -> vector<8x4096xf32>
    %get3A_6 = arith.constant 0 : index
    %get3A_7 = arith.constant 0 : index
    %get3A_8 = vector.load %arg2[%get3A_6, %get3A_7] : memref<8x1xf32, #tpu.memory_space<vmem>>, vector<8x1xf32>
    %add3A = vector.broadcast %get3A_8 : vector<8x1xf32> to vector<8x4096xf32>
    %add3A_9 = arith.addf %dot_general3A_5, %add3A : vector<8x4096xf32>
    %swap3A = arith.constant 0 : index
    %swap3A_10 = arith.constant 0 : index
    %swap3A_11 = vector.load %arg4[%swap3A, %swap3A_10] : memref<8x4096xf32, #tpu.memory_space<vmem>>, vector<8x4096xf32>
    tpu.vector_store %arg4[%swap3A, %swap3A_10], %add3A_9 {strides = array<i32>} : memref<8x4096xf32, #tpu.memory_space<vmem>>, vector<8x4096xf32>,
    return
  }
  func.func @transform_0(%arg0: i32) -> (i32, i32) {
    %c0_i32 = arith.constant 0 : i32
    %c0_i32_0 = arith.constant 0 : i32
    %c0_i32_1 = arith.constant 0 : i32
    return %c0_i32, %c0_i32_0 : i32, i32
  }
  func.func @transform_1(%arg0: i32) -> (i32, i32) {
    %c0_i32 = arith.constant 0 : i32
    %c0_i32_0 = arith.constant 0 : i32
    %c0_i32_1 = arith.constant 0 : i32
    return %c0_i32, %c0_i32_0 : i32, i32
  }
  func.func @transform_2(%arg0: i32) -> (i32, i32) {
    %c0_i32 = arith.constant 0 : i32
    %c0_i32_0 = arith.constant 0 : i32
    return %arg0, %c0_i32 : i32, i32
  }
  func.func @transform_3(%arg0: i32) -> (i32, i32) {
    %c0_i32 = arith.constant 0 : i32
    %c0_i32_0 = arith.constant 0 : i32
    return %c0_i32, %arg0 : i32, i32
  }
}

</mosaic_0001>

<sc_bundles>
// kernel: kernel.6.cloned.1.call-start
scs
__scs_entry_jumppad:
0x0: {  	(pc) =	sbr.rel $0x88, $3  }
0x1: {  	(tag) =	ssettag $0x0;
	lr =	simm.s32 $0x1  }
0x2: {  	[smem:$0x3F9E] =	sst lr;
	_ =	strace $0xD0000000  }
0x3: {  	_ = 	snop  }
0x4: {  	_ = 	snop  }
0x5: {  	_ = 	snop  }
0x6: {  	_ = 	snop  }
0x7: {  	_ = 	snop  }
__scs_overlays_trampoline_lowered:
0x8: {  	[smem:$0x3FAD] =	sst s0  }
0x9: {  	[smem:$0x3FAE] =	sst s1  }
0xa: {  	[smem:$0x3FAF] =	sst s2  }
0xb: {  	[smem:$0x3FB0] =	sst s3  }
0xc: {  	[smem:$0x3FB1] =	sst s4  }
0xd: {  	[smem:$0x3FB2] =	sst s5  }
0xe: {  	[smem:$0x3FB3] =	sst s6  }
0xf: {  	[smem:$0x3FB4] =	sst s7  }
0x10: {  	[smem:$0x3FB5] =	sst s8  }
0x11: {  	[smem:$0x3FB6] =	sst s9;
	s0 =	simm.s32 @!p0 $0x0  }
0x12: {  	s1 =	sld [smem:$0x3F9C];
	s0 =	simm.s32 @p0 $0x1  }
0x13: {  	[smem:$0x3FB7] =	sst s0;
	s0 =	simm.s32 @!p1 $0x0  }
0x14: {  	s2 =	sld [smem:$0x3F9B];
	s0 =	simm.s32 @p1 $0x1  }
0x15: {  	[smem:$0x3FB8] =	sst s0;
	s0 =	simm.s32 @!p2 $0x0  }
0x16: {  	s3 =	sld [smem:$0x3FDB];
	s0 =	simm.s32 @p2 $0x1  }
0x17: {  	s4 =	simm.s32 $0x1BF5;
	[smem:$0x3FBA] =	sst s0  }
0x18: {  	s0 =	sld [smem:$0x3F9D];
	_ =	swait.ge [sflag:s4], $0x0  }
0x19: {  	s7 =	sld [smem:$0x3F9E]  }
0x1a: {  	s8 =	sadd.s32 $0xFFFFE003, lr  }
0x1b: {  	s9 =	sadd.s32 $0xFFFFFEF7, lr;
	s5 =	simm.s32 $0xFFFFFFFF;
	p2 =	slt.u32 s8, $0xFFFFF086  }
0x1c: {  	p1 =	slt.u32 s9, $0xF7A;
	s5 =	simm.s32 @!p2 $0x0  }
0x1d: {  	s5 =	simm.s32 @p1 $0x1;
	p0 =	seq.s32 s7, s2  }
0x1e: {  	s7 =	smul.u32 @!p0 $0xF7A, s2;
	p2 =	seq.s32 @!p0 s5, $0x0  }
0x1f: {  	s9 =	smul.u32 $0xF7A, s1;
	s8 =	simm.s32 @!p0 $0x1BF5;
	p2 =	por !p2, p0  }
0x20: {  	[sflag:s8] =	ssyncset.s32 @!p0 $0xFFFFF086;
	s6 =	sadd.s32 @!p0 s3, s7;
	s7 =	simm.s32 @!p0 $0x108  }
0x21: {  	s3 =	sadd.s32 s3, s9;
	s6 =	sadd.s32 @!p0 $0x88, s6;
	s7 =	simm.s32 @p2 $0x1082  }
0x22: {  	[simem:s7], [sflag:s8] =	dma.local @!p0 [hbm:s6], $0xF7A  }
0x23: {  	s9 =	sor.u32 $0xD0000000, s2;
	s6 =	simm.s32 $0x108;
	_ =	swait.ge @!p0 [sflag:s8], $0x0  }
0x24: {  	s3 =	sadd.s32 $0x88, s3;
	s6 =	simm.s32 @!p1 $0x1082;
	[sflag:s4] =	ssyncset.s32 $0xFFFFF086  }
0x25: {  	[simem:s6], [sflag:s4] =	dma.local [hbm:s3], $0xF7A  }
0x26: {  	[smem:$0x3F9E] =	sst s1;
	(tag) =	ssettag s2;
	_ =	strace s9  }
0x27: {  	s1 =	sld [smem:$0x3FAE]  }
0x28: {  	s2 =	sld [smem:$0x3FAF]  }
0x29: {  	s4 =	sld [smem:$0x3FB1]  }
0x2a: {  	p0 =	seq.s32 s5, $0x0;
	s5 =	sld [smem:$0x3FB2]  }
0x2b: {  	s6 =	sld [smem:$0x3FB3]  }
0x2c: {  	s7 =	sld [smem:$0x3FB4]  }
0x2d: {  	s3 =	simm.s32 $0x108;
	s8 =	sld [smem:$0x3FB5]  }
0x2e: {  	s3 =	simm.s32 @!p0 $0x1082;
	s9 =	sld [smem:$0x3FB6]  }
0x2f: {  	lr =	sadd.s32 s0, s3;
	s0 =	sld [smem:$0x3FAD]  }
0x30: {  	s3 =	sld [smem:$0x3FB0]  }
0x31: {  	[smem:$0x3FB9] =	sst s10  }
0x32: {  	s10 =	sld [smem:$0x3FB7];
	_ =	sdelay $0x3  }
0x33: {  	p0 =	seq.s32 s10, $0x1;
	s10 =	sld [smem:$0x3FB9];
	_ =	sdelay $0x3  }
0x34: {  	[smem:$0x3FB9] =	sst s10  }
0x35: {  	s10 =	sld [smem:$0x3FB8];
	_ =	sdelay $0x3  }
0x36: {  	p1 =	seq.s32 s10, $0x1;
	s10 =	sld [smem:$0x3FB9];
	_ =	sdelay $0x3  }
0x37: {  	[smem:$0x3FB9] =	sst s10  }
0x38: {  	s10 =	sld [smem:$0x3FBA]  }
0x39: {  	_ = 	snop;
	(pc) =	sbr.ind lr, $3  }
0x3a: {  	_ = 	snop  }
0x3b: {  	_ = 	snop  }
0x3c: {  	p2 =	seq.s32 s10, $0x1;
	s10 =	sld [smem:$0x3FB9]  }
0x3d: {  	_ =	shalt  }
0x3e: {  	_ =	shalt  }
0x3f: {  	_ =	shalt  }
0x40: {  	_ =	shalt  }
0x41: {  	_ =	shalt  }
0x42: {  	_ =	shalt  }
0x43: {  	_ =	shalt  }
0x44: {  	_ =	shalt  }
0x45: {  	_ =	shalt  }
0x46: {  	_ =	shalt  }
0x47: {  	_ =	shalt  }
0x48: {  	_ =	shalt  }
0x49: {  	_ =	shalt  }
0x4a: {  	_ =	shalt  }
0x4b: {  	_ =	shalt  }
0x4c: {  	_ =	shalt  }
0x4d: {  	_ =	shalt  }
0x4e: {  	_ =	shalt  }
0x4f: {  	_ =	shalt  }
0x50: {  	_ =	shalt  }
0x51: {  	_ =	shalt  }
0x52: {  	_ =	shalt  }
0x53: {  	_ =	shalt  }
0x54: {  	_ =	shalt  }
0x55: {  	_ =	shalt  }
0x56: {  	_ =	shalt  }
0x57: {  	_ =	shalt  }
0x58: {  	_ =	shalt  }
0x59: {  	_ =	shalt  }
0x5a: {  	_ =	shalt  }
0x5b: {  	_ =	shalt  }
0x5c: {  	_ =	shalt  }
0x5d: {  	_ =	shalt  }
0x5e: {  	_ =	shalt  }
0x5f: {  	_ =	shalt  }
0x60: {  	_ =	shalt  }
0x61: {  	_ =	shalt  }
0x62: {  	_ =	shalt  }
0x63: {  	_ =	shalt  }
0x64: {  	_ =	shalt  }
0x65: {  	_ =	shalt  }
0x66: {  	_ =	shalt  }
0x67: {  	_ =	shalt  }
0x68: {  	_ =	shalt  }
0x69: {  	_ =	shalt  }
0x6a: {  	_ =	shalt  }
0x6b: {  	_ =	shalt  }
0x6c: {  	_ =	shalt  }
0x6d: {  	_ =	shalt  }
0x6e: {  	_ =	shalt  }
0x6f: {  	_ =	shalt  }
0x70: {  	_ =	shalt  }
0x71: {  	_ =	shalt  }
0x72: {  	_ =	shalt  }
0x73: {  	_ =	shalt  }
0x74: {  	_ =	shalt  }
0x75: {  	_ =	shalt  }
0x76: {  	_ =	shalt  }
0x77: {  	_ =	shalt  }
0x78: {  	_ =	shalt  }
0x79: {  	_ =	shalt  }
0x7a: {  	_ =	shalt  }
0x7b: {  	_ =	shalt  }
0x7c: {  	_ =	shalt  }
0x7d: {  	_ =	shalt  }
0x7e: {  	_ =	shalt  }
0x7f: {  	_ =	shalt  }
0x80: {  	_ =	shalt  }
0x81: {  	_ =	shalt  }
0x82: {  	_ =	shalt  }
0x83: {  	_ =	shalt  }
0x84: {  	_ =	shalt  }
0x85: {  	_ =	shalt  }
0x86: {  	_ =	shalt  }
0x87: {  	_ =	shalt  }
.Lfunc_end0:
.L_simem_size_0:
called_computation_lowered:
.L_overlay_start_0:
0x88: {  	s2 =	sld [smem:$0x3FD9]  }
0x89: {  	s3 =	sld [smem:$0x3FFE];
	_ =	sdelay $0x1  }
0x8a: {  	s1 =	srdreg.scid  }
0x8b: {  	s0 =	sand.u32 $0x1, s1  }
0x8c: {  	s16 =	sshll.u32 s0, $0xA;
	s2 =	sadd.s32 s3, s2  }
0x8d: {  	s2 =	sadd.s32 s2, s16  }
0x8e: {  	[smem:$0x3FC5] =	sst s2  }
0x8f: {  	_ = 	snop  }
0x90: {  	(tm) =	ssettm $0x1  }
0x91: {  	s17 =	sld [smem:$0x3FFB];
	_ =	sdelay $0x3  }
0x92: {  	_ =	strace s17  }
0x93: {  	s2 =	sld [smem:$0x3FFC];
	_ =	sdelay $0x3  }
0x94: {  	_ =	strace s2  }
0x95: {  	s2 =	sld [smem:$0x3FFD];
	_ =	sdelay $0x3  }
0x96: {  	_ =	strace s2  }
0x97: {  	_ =	strace $0x8FFFFFFF  }
0x98: {  	s18 =	sld [smem:$0x3FDB];
	_ =	sdelay $0x1  }
0x99: {  	s19 =	simm.s32 $_scs_section_size  }
0x9a: {  	s4 =	simm.s32 $_size__tile_overlayer_lowered;
	s5 =	simm.s32 $_tile_overlayer_lowered  }
0x9b: {  	s22 =	simm.s32 $0x1BFF;
	s21 =	sshll.u32 s5, $0x1;
	s2 =	sadd.s32 s19, s18  }
0x9c: {  	s6 =	simm.s32 $0x0;
	s20 =	sshll.u32 s4, $0x1;
	s4 =	sadd.s32 s21, s2  }
0x9d: {  	[timem:s6], [sflag:s22] =	dma.local [hbm:s4], s20  }
0x9e: {  	_ =	swait.ge [sflag:s22], s20  }
0x9f: {  	s3 =	ssub.s32 $0x0, s20;
	[sflag:s22] =	ssyncset.done $0x0  }
0xa0: {  	[sflag:s22] =	ssyncadd.s32 s3;
	_ =	sdelay $0x1  }
0xa1: {  	s23 =	simm.s32 $0x1B8B  }
0xa2: {  	_ =	swait.ge [sflag:s23], $0x1  }
0xa3: {  	[sflag:s23] =	ssyncset.done $0x0  }
0xa4: {  	s25 =	simm.s32 $0x1B8E;
	s24 =	sld [smem:$0x3FFE];
	[sflag:s23] =	ssyncadd.s32 $0xFFFFFFFF  }
0xa5: {  	s26 =	simm.s32 $execute0_lowered;
	[smem:$0x3FD2] =	sst s25  }
0xa6: {  	s4 =	sshll.u32 s26, $0x1;
	_ =	strace $0x80000046;
	[dreg:$0x1] =	wrdreg $0xFFFFFFFF  }
0xa7: {  	s28 =	simm.s32 $_size_execute0_lowered;
	s2 =	sadd.s32 s2, s4;
	[dreg:$0x0] =	wrdreg $0x0  }
0xa8: {  	s4 =	sshll.u32 s28, $0x1;
	[dreg:$0x2] =	wrdreg s2  }
0xa9: {  	[dreg:$0x3] =	wrdreg s4  }
0xaa: {  	[dreg:$0x4] =	wrdreg $0xC0  }
0xab: {  	_ =	task [dreg:s6], $0x5FFFF  }
0xac: {  	[dreg:$0x1] =	wrdreg $0xFFFFFFFF  }
0xad: {  	[dreg:$0x0] =	wrdreg $0x60  }
0xae: {  	[dreg:$0x2] =	wrdreg s24  }
0xaf: {  	[dreg:$0x3] =	wrdreg $0x9  }
0xb0: {  	_ =	task.clear_ibuf [dreg:s6], $0x4FFFF;
	_ =	strace $0x90000046  }
0xb1: {  	s29 =	simm.s32 $0x9;
	_ =	strace $0x80000048  }
0xb2: {  	_ =	swait.ge [sflag:s29], $0x1  }
0xb3: {  	[sflag:s29] =	ssyncadd.s32 $0xFFFFFFFF  }
0xb4: {  	_ =	strace $0x90000048  }
0xb5: {  	_ =	sfence  }
0xb6: {  	s30 =	sld [smem:$0x0];
	_ =	sdelay $0x2  }
0xb7: {  	s31 =	sshll.u32 s1, $0xD;
	s1 =	sshrl.u32 s1, $0x2  }
0xb8: {  	s3 =	sand.u32 $0x4000, s31;
	s1 =	sadd.s32 s1, s30  }
0xb9: {  	s0 =	sor.u32 s3, s0;
	s1 =	sshll.u32 s1, $0x11  }
0xba: {  	s0 =	sor.u32 s1, s0  }
0xbb: {  	s0 =	sadd.s32 $0x8F2B, s0  }
0xbc: {  	[sflag:s0] =	ssyncadd.remote.s32 $0x1  }
0xbd: {  	_ =	sfence.sel $0xFFFF  }
0xbe: {  	[dreg:$0x0] =	wrdreg $0xFFFFFFFF;
	(pc) =	sbr.abs _section_cstart, $3  }
0xbf: {  	[dreg:$0x1] =	wrdreg $0xFFFFFFFF  }
0xc0: {  	_ =	task.clear_ibuf [dreg:s6], $0x2FFFF;
	_ =	strace $0x9FFFFFFF  }
0xc1: {  	(tm) =	ssettm $0x7FFFFFFF  }
tec
execute0_lowered:
.L_overlay_start_1:
0x0: {  	(tag) =	ssettag $0x1  }
0x1: {  	s3 =	rddreg [dreg:$0x0]  }
0x2: {  	s0 =	rddreg [dreg:$0x1];
	s2 =	simm.s32 $0x0;
	s4 =	srdreg.scid  }
0x3: {  	s1 =	stileid.u32;
	s8 =	simm.s32 $0x1000;
	s9 =	simm.s32 $0x2000  }
0x4: {  	[smem:$0x7FF] =	sst s2;
	s4 =	sand.u32 $0x1, s4;
	s5 =	sshll.u32 s1, $0x1  }
0x5: {  	s10 =	simm.s32 $0x0;
	_ =	strace $0x80000047;
	s5 =	sor.u32 s4, s5  }
0x6: {  	s4 =	ssub.s32 $0x2, s4;
	s6 =	sshll.u32 s5, $0x9;
	s5 =	sshll.u32 s5, $0x7  }
0x7: {  	s31 =	sshrl.u32 s4, $0x1;
	s6 =	sadd.s32 s6, s3;
	s5 =	sadd.s32 s5, s3  }
0x8: {  	s7 =	ssub.s32 s4, s31;
	s3 =	sadd.s32 $0x1800, s6;
	s4 =	sadd.s32 $0x5800, s6  }
0x9: {  	v0 =	vimm.s32 $0x8;
	v1 =	vimm.f32 $0.0e+00;
	v2 =	vlaneseq.u32;
	s5 =	sadd.s32 $0x9800, s5;
	s6 =	smax.u32 s7, $0x1;
	s7 =	simm.s32 $0x1  }
.LBB2_1:
0xa: {  	[tilespmem:s2], [sflag:$0x1] =	stream.linear.gather [hbm4b:s3+s2], $0x1000, $0x38;
	[tilespmem:$0x2400] =	vst v63  }
0xb: {  	_ =	swait.ge [sflag:s7], $0x1000  }
0xc: {  	s11 =	sand.u32 $0x70, s2;
	s12 =	sand.u32 $0xC00, s2;
	[sflag:s7] =	ssyncset.done $0x0  }
0xd: {  	s11 =	sor.u32 s11, s12;
	[sflag:s7] =	ssyncadd.s32 $0xFFFFF000  }
0xe: {  	v4 =	vld [tilespmem:s11+$0x0]  }
0xf: {  	v5 =	vld [tilespmem:s11+$0x80]  }
0x10: {  	v6 =	vld [tilespmem:s11+$0x100]  }
0x11: {  	v7 =	vld [tilespmem:s11+$0x180]  }
0x12: {  	v8 =	vld [tilespmem:s11+$0x200]  }
0x13: {  	s30 =	sor.u32 s2, s2;
	v9 =	vld [tilespmem:s11+$0x280]  }
0x14: {  	s31 =	sor.u32 $0x380, s30;
	v10 =	vld [tilespmem:s11+$0x300];
	v3 =	vmax.f32 v4, v5  }
0x15: {  	v11 =	vld [tilespmem:s31+$0x0];
	v3 =	vmax.f32 v3, v6  }
0x16: {  	v3 =	vmax.f32 v3, v7  }
0x17: {  	v3 =	vmax.f32 v3, v8  }
0x18: {  	v3 =	vmax.f32 v3, v9  }
0x19: {  	v3 =	vmax.f32 v3, v10  }
0x1a: {  	v12 =	vmax.f32 v3, v11  }
0x1b: {  	vm0 =	veq.f32 v11, v12  }
0x1c: {  	vm1 =	veq.f32 v10, v12;
	v3 =	vsel vm0, $0x7, v0  }
0x1d: {  	vm8 =	veq.f32 v9, v12;
	v3 =	vsel vm1, $0x6, v3  }
0x1e: {  	vm9 =	veq.f32 v8, v12;
	v3 =	vsel vm8, $0x5, v3  }
0x1f: {  	vm10 =	veq.f32 v7, v12;
	v3 =	vsel vm9, $0x4, v3  }
0x20: {  	vm11 =	veq.f32 v6, v12;
	v3 =	vsel vm10, $0x3, v3  }
0x21: {  	vm12 =	veq.f32 v5, v12;
	v3 =	vsel vm11, $0x2, v3  }
0x22: {  	vm13 =	vne.f32 v4, v12;
	v3 =	vsel vm12, $0x1, v3  }
0x23: {  	vm0 =	vmand vm13, vm12;
	v3 =	vnsel vm13, $0x0, v3  }
0x24: {  	v4 =	vnsel vm13, $0xFF61B1E6, v4;
	v5 =	vsel vm0, $0xFF61B1E6, v5;
	vm14 =	veq.s32 v3, $0x2  }
0x25: {  	v13 =	vmax.f32 v4, v5;
	vm15 =	veq.s32 v3, $0x3;
	v6 =	vsel vm14, $0xFF61B1E6, v6  }
0x26: {  	vm4 =	veq.s32 v3, $0x4;
	v7 =	vsel vm15, $0xFF61B1E6, v7;
	v13 =	vmax.f32 v13, v6  }
0x27: {  	vm5 =	veq.s32 v3, $0x5;
	v8 =	vsel vm4, $0xFF61B1E6, v8;
	v13 =	vmax.f32 v13, v7  }
0x28: {  	vm6 =	veq.s32 v3, $0x6;
	v9 =	vsel vm5, $0xFF61B1E6, v9;
	v13 =	vmax.f32 v13, v8  }
0x29: {  	vm7 =	veq.s32 v3, $0x7;
	v10 =	vsel vm6, $0xFF61B1E6, v10;
	v13 =	vmax.f32 v13, v9  }
0x2a: {  	v11 =	vsel vm7, $0xFF61B1E6, v11;
	v13 =	vmax.f32 v13, v10  }
0x2b: {  	v13 =	vmax.f32 v13, v11  }
0x2c: {  	v12 =	vsub.f32 v13, v12;
	_ =	sdelay $0x1  }
0x2d: {  	v12 =	vmul.f32 $1.442695020e+00, v12;
	_ =	sdelay $0x1  }
0x2e: {  	(erf) = vpow2.f32 v12;
	_ =	sdelay $0x8  }
0x2f: {  	v12 =	vpop (erf)  }
0x30: {  	vm8 =	veq.f32 v11, v13;
	v14 =	vadd.f32 $1.000000000e+00, v12  }
0x31: {  	vm9 =	veq.f32 v10, v13;
	v10 =	vsel vm8, $0x7, v0  }
0x32: {  	vm10 =	veq.f32 v9, v13;
	v9 =	vsel vm9, $0x6, v10;
	(erf) = vrcp.f32 v14  }
0x33: {  	s11 =	simm.s32 $0x1040;
	vm11 =	veq.f32 v8, v13;
	v8 =	vsel vm10, $0x5, v9  }
0x34: {  	[tilespmem:s11+$0xFFFFFFC0] =	vst v1;
	vm12 =	veq.f32 v7, v13;
	v7 =	vsel vm11, $0x4, v8  }
0x35: {  	[tilespmem:s11+$0xFFFFFFD0] =	vst v1;
	vm13 =	veq.f32 v6, v13;
	v10 =	vor.u32 s2, v2;
	v6 =	vsel vm12, $0x3, v7  }
0x36: {  	[tilespmem:s11+$0xFFFFFFE0] =	vst v1;
	vm14 =	veq.f32 v5, v13;
	v9 =	vshll.u32 v10, $0x3;
	v5 =	vsel vm13, $0x2, v6  }
0x37: {  	[tilespmem:s11+$0xFFFFFFF0] =	vst v1;
	vm15 =	veq.f32 v4, v13;
	v11 =	vadd.s32 v9, v3;
	v4 =	vsel vm14, $0x1, v5  }
0x38: {  	[tilespmem:s11+$0x0] =	vst v1;
	v4 =	vsel vm15, $0x0, v4  }
0x39: {  	[tilespmem:s11+$0x10] =	vst v1;
	v7 =	vadd.s32 v9, v4  }
0x3a: {  	[tilespmem:s11+$0x20] =	vst v1;
	v5 =	vshll.u32 v10, $0x1  }
0x3b: {  	[tilespmem:s11+$0x30] =	vst v1;
	v6 =	vor.u32 $0x1, v5;
	v10 =	vpop (erf)  }
0x3c: {  	s13 =	simm.s32 $0x0;
	s12 =	simm.s32 $0x10;
	v8 =	vmul.f32 v10, v12;
	[tilespmem:v11+s8+$0x0] =	vst.idx.msk $0xffff, v10  }
.LBB2_2:
0x3d: {  	p0 =	sne.s32 s12, $0x1F0  }
0x3e: {  	s13 =	sadd.s32 $0x80, s13;
	s11 =	sadd.s32 $0x80, s11;
	s14 =	smov.u32 s12;
	[tilespmem:v7+s8+$0x0] =	vst.idx.msk $0xffff, v8  }
0x3f: {  	s12 =	sadd.s32 $0x10, s12;
	s15 =	sand.u32 $0x70, s14;
	s16 =	sand.u32 $0xC00, s13;
	[tilespmem:v5+s9+$0x0] =	vst.idx.msk $0xffff, v3  }
0x40: {  	s15 =	sor.u32 s15, s16;
	[tilespmem:v6+s9+$0x0] =	vst.idx.msk $0xffff, v4  }
0x41: {  	v4 =	vld [tilespmem:s15+$0x100]  }
0x42: {  	v3 =	vld [tilespmem:s15+$0x0]  }
0x43: {  	v5 =	vld [tilespmem:s15+$0x80]  }
0x44: {  	v6 =	vld [tilespmem:s15+$0x180]  }
0x45: {  	v7 =	vld [tilespmem:s15+$0x200]  }
0x46: {  	s16 =	sor.u32 s13, s14;
	v8 =	vld [tilespmem:s15+$0x280]  }
0x47: {  	v9 =	vld [tilespmem:s15+$0x300];
	s15 =	sor.u32 $0x380, s16  }
0x48: {  	v10 =	vld [tilespmem:s15+$0x0];
	v11 =	vmax.f32 v3, v5  }
0x49: {  	v11 =	vmax.f32 v11, v4;
	[tilespmem:s11+$0xFFFFFFC0] =	vst v1  }
0x4a: {  	v11 =	vmax.f32 v11, v6;
	[tilespmem:s11+$0xFFFFFFD0] =	vst v1  }
0x4b: {  	v11 =	vmax.f32 v11, v7;
	[tilespmem:s11+$0xFFFFFFE0] =	vst v1  }
0x4c: {  	v11 =	vmax.f32 v11, v8;
	[tilespmem:s11+$0xFFFFFFF0] =	vst v1  }
0x4d: {  	v11 =	vmax.f32 v11, v9;
	[tilespmem:s11+$0x0] =	vst v1  }
0x4e: {  	v11 =	vmax.f32 v11, v10;
	[tilespmem:s11+$0x10] =	vst v1  }
0x4f: {  	vm0 =	vne.f32 v3, v11;
	vm1 =	veq.f32 v9, v11;
	vm2 =	veq.f32 v10, v11;
	[tilespmem:s11+$0x20] =	vst v1  }
0x50: {  	vm3 =	veq.f32 v4, v11;
	vm4 =	veq.f32 v8, v11;
	v12 =	vsel vm2, $0x7, v0;
	[tilespmem:s11+$0x30] =	vst v1  }
0x51: {  	vm5 =	veq.f32 v7, v11;
	vm2 =	veq.f32 v5, v11;
	v12 =	vsel vm1, $0x6, v12  }
0x52: {  	vm1 =	veq.f32 v6, v11;
	v12 =	vsel vm4, $0x5, v12;
	vm4 =	vmand vm0, vm2  }
0x53: {  	v13 =	vnsel vm0, $0xFF61B1E6, v3;
	v12 =	vsel vm5, $0x4, v12;
	v5 =	vsel vm4, $0xFF61B1E6, v5  }
0x54: {  	v3 =	vsel vm1, $0x3, v12  }
0x55: {  	v3 =	vsel vm3, $0x2, v3  }
0x56: {  	v3 =	vsel vm2, $0x1, v3  }
0x57: {  	v12 =	vmax.f32 v13, v5;
	v3 =	vnsel vm0, $0x0, v3  }
0x58: {  	vm0 =	veq.s32 v3, $0x2;
	vm1 =	veq.s32 v3, $0x3;
	vm2 =	veq.s32 v3, $0x4  }
0x59: {  	v4 =	vsel vm0, $0xFF61B1E6, v4;
	v6 =	vsel vm1, $0xFF61B1E6, v6;
	vm0 =	veq.s32 v3, $0x5  }
0x5a: {  	v7 =	vsel vm2, $0xFF61B1E6, v7;
	vm1 =	veq.s32 v3, $0x6;
	v12 =	vmax.f32 v12, v4  }
0x5b: {  	v8 =	vsel vm0, $0xFF61B1E6, v8;
	vm0 =	veq.s32 v3, $0x7;
	v12 =	vmax.f32 v12, v6  }
0x5c: {  	v9 =	vsel vm1, $0xFF61B1E6, v9;
	v12 =	vmax.f32 v12, v7  }
0x5d: {  	v10 =	vsel vm0, $0xFF61B1E6, v10;
	v12 =	vmax.f32 v12, v8  }
0x5e: {  	v12 =	vmax.f32 v12, v9  }
0x5f: {  	v12 =	vmax.f32 v12, v10  }
0x60: {  	vm0 =	veq.f32 v9, v12;
	vm1 =	veq.f32 v10, v12;
	v9 =	vsub.f32 v12, v11  }
0x61: {  	vm2 =	veq.f32 v7, v12;
	vm3 =	veq.f32 v8, v12;
	v7 =	vsel vm1, $0x7, v0  }
0x62: {  	vm1 =	veq.f32 v6, v12;
	v6 =	vsel vm0, $0x6, v7;
	v7 =	vmul.f32 $1.442695020e+00, v9  }
0x63: {  	vm4 =	veq.f32 v4, v12;
	vm0 =	veq.f32 v5, v12;
	v4 =	vsel vm3, $0x5, v6  }
0x64: {  	vm3 =	veq.f32 v13, v12;
	v4 =	vsel vm2, $0x4, v4;
	(erf) = vpow2.f32 v7  }
0x65: {  	v4 =	vsel vm1, $0x3, v4  }
0x66: {  	v4 =	vsel vm4, $0x2, v4  }
0x67: {  	v4 =	vsel vm0, $0x1, v4;
	_ =	sdelay $0x5  }
0x68: {  	v8 =	vpop (erf)  }
0x69: {  	v5 =	vadd.f32 $1.000000000e+00, v8;
	_ =	sdelay $0x1  }
0x6a: {  	(erf) = vrcp.f32 v5;
	_ =	sdelay $0x2  }
0x6b: {  	v5 =	vor.u32 s14, v2  }
0x6c: {  	v6 =	vshll.u32 v5, $0x3  }
0x6d: {  	v4 =	vsel vm3, $0x0, v4;
	v9 =	vadd.s32 v6, v3  }
.Ltmp0:
0x6e: {  	v7 =	vadd.s32 v6, v4;
	(pc) =	sbr.rel @p0 .LBB2_2-.Ltmp0, $4  }
0x6f: {  	v5 =	vshll.u32 v5, $0x1  }
0x70: {  	v6 =	vor.u32 $0x1, v5  }
0x71: {  	v10 =	vpop (erf)  }
0x72: {  	v8 =	vmul.f32 v10, v8;
	[tilespmem:v9+s8+$0x0] =	vst.idx.msk $0xffff, v10  }
0x73: {  	_ =	sdelay $0x3  }
0x74: {  	[tilespmem:v7+s8+$0x0] =	vst.idx.msk $0xffff, v8  }
0x75: {  	[tilespmem:v5+s9+$0x0] =	vst.idx.msk $0xffff, v3  }
0x76: {  	[tilespmem:v6+s9+$0x0] =	vst.idx.msk $0xffff, v4  }
0x77: {  	[hbm4b:s4+s2] =	stream.linear.scatter [tilespmem:s8], [sflag:$0x1], $0x1000, $0x38;
	[tilespmem:$0x2400] =	vst v63  }
0x78: {  	s10 =	sadd.s32 $0x1, s10;
	_ =	swait.ge [sflag:s7], $0x1000  }
0x79: {  	p0 =	sne.s32 s10, s6;
	[sflag:s7] =	ssyncset.done $0x0  }
.Ltmp1:
0x7a: {  	[sflag:s7] =	ssyncadd.s32 $0xFFFFF000;
	(pc) =	sbr.rel @p0 .LBB2_1-.Ltmp1, $4  }
0x7b: {  	[hbm4b:s5+s2] =	stream.linear.scatter [tilespmem:s9], [sflag:$0x1], $0x400, $0x38;
	[tilespmem:$0x2400] =	vst v63  }
0x7c: {  	_ =	swait.ge [sflag:s7], $0x400  }
0x7d: {  	[sflag:s7] =	ssyncset.done $0x0  }
0x7e: {  	[sflag:s7] =	ssyncadd.s32 $0xFFFFFC00  }
0x7f: {  	_ =	sfence.sel $0x180000  }
0x80: {  	[bflag:$0x0] =	sbarrier.arrive $0xFFFF  }
0x81: {  	p0 =	sne.s32 s1, $0x0;
	_ =	strace $0x90000047  }
0x82: {  	s0 =	sadd.s32 @!p0 $0x100000, s0;
	[bflag:$0x2] =	sbarrier.arrive $0xFFFF  }
0x83: {  	[sflag:s0] =	ssyncadd.tile.s32 @!p0 $0x1;
	_ =	shalt  }
.Lfunc_end2:
_tile_overlayer_lowered:
.L_overlay_start_2:
0x84: {  	(tag) =	ssettag $0x2  }
0x85: {  	s0 =	rddreg [dreg:$0x0];
	s2 =	stileid.u32  }
0x86: {  	s1 =	rddreg [dreg:$0x1];
	p0 =	sne.s32 s2, $0x0  }
0x87: {  	s3 =	rddreg [dreg:$0x2];
	[bflag:$0x3] =	sbarrier.arrive $0xFFFF;
	s2 =	simm.s32 @!p0 $0x1C01  }
0x88: {  	[timem:s3], [sflag:s2] =	dma.local @!p0 [hbm:s0], s1  }
0x89: {  	s0 =	simm.s32 @!p0 $0x1  }
0x8a: {  	_ =	swait.ge @!p0 [sflag:s0], s1  }
0x8b: {  	s1 =	ssub.s32 @!p0 $0x0, s1;
	[sflag:s0] =	ssyncset.done @!p0 $0x0  }
0x8c: {  	[sflag:s0] =	ssyncadd.s32 @!p0 s1  }
0x8d: {  	[bflag:$0x3] =	sbarrier.arrive $0xFFFF  }
0x8e: {  	_ =	shalt  }

// kernel: kernel.9.cloned.1.call-start
scs
__scs_entry_jumppad:
0x0: {  	(pc) =	sbr.rel $0x88, $3  }
0x1: {  	(tag) =	ssettag $0x0;
	lr =	simm.s32 $0x1  }
0x2: {  	[smem:$0x3F9E] =	sst lr;
	_ =	strace $0xD0000000  }
0x3: {  	_ = 	snop  }
0x4: {  	_ = 	snop  }
0x5: {  	_ = 	snop  }
0x6: {  	_ = 	snop  }
0x7: {  	_ = 	snop  }
__scs_overlays_trampoline_lowered:
0x8: {  	[smem:$0x3FAD] =	sst s0  }
0x9: {  	[smem:$0x3FAE] =	sst s1  }
0xa: {  	[smem:$0x3FAF] =	sst s2  }
0xb: {  	[smem:$0x3FB0] =	sst s3  }
0xc: {  	[smem:$0x3FB1] =	sst s4  }
0xd: {  	[smem:$0x3FB2] =	sst s5  }
0xe: {  	[smem:$0x3FB3] =	sst s6  }
0xf: {  	[smem:$0x3FB4] =	sst s7  }
0x10: {  	[smem:$0x3FB5] =	sst s8  }
0x11: {  	[smem:$0x3FB6] =	sst s9;
	s0 =	simm.s32 @!p0 $0x0  }
0x12: {  	s1 =	sld [smem:$0x3F9C];
	s0 =	simm.s32 @p0 $0x1  }
0x13: {  	[smem:$0x3FB7] =	sst s0;
	s0 =	simm.s32 @!p1 $0x0  }
0x14: {  	s2 =	sld [smem:$0x3F9B];
	s0 =	simm.s32 @p1 $0x1  }
0x15: {  	[smem:$0x3FB8] =	sst s0;
	s0 =	simm.s32 @!p2 $0x0  }
0x16: {  	s3 =	sld [smem:$0x3FDB];
	s0 =	simm.s32 @p2 $0x1  }
0x17: {  	s4 =	simm.s32 $0x1BF5;
	[smem:$0x3FBA] =	sst s0  }
0x18: {  	s0 =	sld [smem:$0x3F9D];
	_ =	swait.ge [sflag:s4], $0x0  }
0x19: {  	s7 =	sld [smem:$0x3F9E]  }
0x1a: {  	s8 =	sadd.s32 $0xFFFFE003, lr  }
0x1b: {  	s9 =	sadd.s32 $0xFFFFFEF7, lr;
	s5 =	simm.s32 $0xFFFFFFFF;
	p2 =	slt.u32 s8, $0xFFFFF086  }
0x1c: {  	p1 =	slt.u32 s9, $0xF7A;
	s5 =	simm.s32 @!p2 $0x0  }
0x1d: {  	s5 =	simm.s32 @p1 $0x1;
	p0 =	seq.s32 s7, s2  }
0x1e: {  	s7 =	smul.u32 @!p0 $0xF7A, s2;
	p2 =	seq.s32 @!p0 s5, $0x0  }
0x1f: {  	s9 =	smul.u32 $0xF7A, s1;
	s8 =	simm.s32 @!p0 $0x1BF5;
	p2 =	por !p2, p0  }
0x20: {  	[sflag:s8] =	ssyncset.s32 @!p0 $0xFFFFF086;
	s6 =	sadd.s32 @!p0 s3, s7;
	s7 =	simm.s32 @!p0 $0x108  }
0x21: {  	s3 =	sadd.s32 s3, s9;
	s6 =	sadd.s32 @!p0 $0x88, s6;
	s7 =	simm.s32 @p2 $0x1082  }
0x22: {  	[simem:s7], [sflag:s8] =	dma.local @!p0 [hbm:s6], $0xF7A  }
0x23: {  	s9 =	sor.u32 $0xD0000000, s2;
	s6 =	simm.s32 $0x108;
	_ =	swait.ge @!p0 [sflag:s8], $0x0  }
0x24: {  	s3 =	sadd.s32 $0x88, s3;
	s6 =	simm.s32 @!p1 $0x1082;
	[sflag:s4] =	ssyncset.s32 $0xFFFFF086  }
0x25: {  	[simem:s6], [sflag:s4] =	dma.local [hbm:s3], $0xF7A  }
0x26: {  	[smem:$0x3F9E] =	sst s1;
	(tag) =	ssettag s2;
	_ =	strace s9  }
0x27: {  	s1 =	sld [smem:$0x3FAE]  }
0x28: {  	s2 =	sld [smem:$0x3FAF]  }
0x29: {  	s4 =	sld [smem:$0x3FB1]  }
0x2a: {  	p0 =	seq.s32 s5, $0x0;
	s5 =	sld [smem:$0x3FB2]  }
0x2b: {  	s6 =	sld [smem:$0x3FB3]  }
0x2c: {  	s7 =	sld [smem:$0x3FB4]  }
0x2d: {  	s3 =	simm.s32 $0x108;
	s8 =	sld [smem:$0x3FB5]  }
0x2e: {  	s3 =	simm.s32 @!p0 $0x1082;
	s9 =	sld [smem:$0x3FB6]  }
0x2f: {  	lr =	sadd.s32 s0, s3;
	s0 =	sld [smem:$0x3FAD]  }
0x30: {  	s3 =	sld [smem:$0x3FB0]  }
0x31: {  	[smem:$0x3FB9] =	sst s10  }
0x32: {  	s10 =	sld [smem:$0x3FB7];
	_ =	sdelay $0x3  }
0x33: {  	p0 =	seq.s32 s10, $0x1;
	s10 =	sld [smem:$0x3FB9];
	_ =	sdelay $0x3  }
0x34: {  	[smem:$0x3FB9] =	sst s10  }
0x35: {  	s10 =	sld [smem:$0x3FB8];
	_ =	sdelay $0x3  }
0x36: {  	p1 =	seq.s32 s10, $0x1;
	s10 =	sld [smem:$0x3FB9];
	_ =	sdelay $0x3  }
0x37: {  	[smem:$0x3FB9] =	sst s10  }
0x38: {  	s10 =	sld [smem:$0x3FBA]  }
0x39: {  	_ = 	snop;
	(pc) =	sbr.ind lr, $3  }
0x3a: {  	_ = 	snop  }
0x3b: {  	_ = 	snop  }
0x3c: {  	p2 =	seq.s32 s10, $0x1;
	s10 =	sld [smem:$0x3FB9]  }
0x3d: {  	_ =	shalt  }
0x3e: {  	_ =	shalt  }
0x3f: {  	_ =	shalt  }
0x40: {  	_ =	shalt  }
0x41: {  	_ =	shalt  }
0x42: {  	_ =	shalt  }
0x43: {  	_ =	shalt  }
0x44: {  	_ =	shalt  }
0x45: {  	_ =	shalt  }
0x46: {  	_ =	shalt  }
0x47: {  	_ =	shalt  }
0x48: {  	_ =	shalt  }
0x49: {  	_ =	shalt  }
0x4a: {  	_ =	shalt  }
0x4b: {  	_ =	shalt  }
0x4c: {  	_ =	shalt  }
0x4d: {  	_ =	shalt  }
0x4e: {  	_ =	shalt  }
0x4f: {  	_ =	shalt  }
0x50: {  	_ =	shalt  }
0x51: {  	_ =	shalt  }
0x52: {  	_ =	shalt  }
0x53: {  	_ =	shalt  }
0x54: {  	_ =	shalt  }
0x55: {  	_ =	shalt  }
0x56: {  	_ =	shalt  }
0x57: {  	_ =	shalt  }
0x58: {  	_ =	shalt  }
0x59: {  	_ =	shalt  }
0x5a: {  	_ =	shalt  }
0x5b: {  	_ =	shalt  }
0x5c: {  	_ =	shalt  }
0x5d: {  	_ =	shalt  }
0x5e: {  	_ =	shalt  }
0x5f: {  	_ =	shalt  }
0x60: {  	_ =	shalt  }
0x61: {  	_ =	shalt  }
0x62: {  	_ =	shalt  }
0x63: {  	_ =	shalt  }
0x64: {  	_ =	shalt  }
0x65: {  	_ =	shalt  }
0x66: {  	_ =	shalt  }
0x67: {  	_ =	shalt  }
0x68: {  	_ =	shalt  }
0x69: {  	_ =	shalt  }
0x6a: {  	_ =	shalt  }
0x6b: {  	_ =	shalt  }
0x6c: {  	_ =	shalt  }
0x6d: {  	_ =	shalt  }
0x6e: {  	_ =	shalt  }
0x6f: {  	_ =	shalt  }
0x70: {  	_ =	shalt  }
0x71: {  	_ =	shalt  }
0x72: {  	_ =	shalt  }
0x73: {  	_ =	shalt  }
0x74: {  	_ =	shalt  }
0x75: {  	_ =	shalt  }
0x76: {  	_ =	shalt  }
0x77: {  	_ =	shalt  }
0x78: {  	_ =	shalt  }
0x79: {  	_ =	shalt  }
0x7a: {  	_ =	shalt  }
0x7b: {  	_ =	shalt  }
0x7c: {  	_ =	shalt  }
0x7d: {  	_ =	shalt  }
0x7e: {  	_ =	shalt  }
0x7f: {  	_ =	shalt  }
0x80: {  	_ =	shalt  }
0x81: {  	_ =	shalt  }
0x82: {  	_ =	shalt  }
0x83: {  	_ =	shalt  }
0x84: {  	_ =	shalt  }
0x85: {  	_ =	shalt  }
0x86: {  	_ =	shalt  }
0x87: {  	_ =	shalt  }
.Lfunc_end0:
.L_simem_size_0:
called_computation.1_lowered:
.L_overlay_start_0:
0x88: {  	s2 =	sld [smem:$0x3FD9]  }
0x89: {  	s3 =	sld [smem:$0x3FFE];
	_ =	sdelay $0x1  }
0x8a: {  	s1 =	srdreg.scid  }
0x8b: {  	s0 =	sand.u32 $0x1, s1  }
0x8c: {  	s15 =	sshll.u32 s0, $0xA;
	s2 =	sadd.s32 s3, s2  }
0x8d: {  	s2 =	sadd.s32 s2, s15  }
0x8e: {  	[smem:$0x3FC5] =	sst s2  }
0x8f: {  	_ = 	snop  }
0x90: {  	s2 =	sld [smem:$0x3FD0];
	_ =	sdelay $0x2  }
0x91: {  	s4 =	simm.s32 $0xB;
	s16 =	simm.s32 $0x10  }
0x92: {  	[smem:s16], [sflag:s4] =	dma.local [hbm:s2], $0x1  }
0x93: {  	_ =	swait.eq [sflag:s4], $0x1  }
0x94: {  	[sflag:s4] =	ssyncset.done $0x0  }
0x95: {  	s17 =	sld [smem:$0x10];
	[sflag:s4] =	ssyncadd.s32 $0xFFFFFFFF  }
0x96: {  	s18 =	sld [smem:$0x11];
	(tm) =	ssettm $0x1  }
0x97: {  	s19 =	sld [smem:$0x3FFB];
	_ =	sdelay $0x3  }
0x98: {  	_ =	strace s19  }
0x99: {  	s2 =	sld [smem:$0x3FFC];
	_ =	sdelay $0x3  }
0x9a: {  	_ =	strace s2  }
0x9b: {  	s2 =	sld [smem:$0x3FFD];
	_ =	sdelay $0x3  }
0x9c: {  	_ =	strace s2  }
0x9d: {  	_ =	strace $0x8FFFFFFF  }
0x9e: {  	s20 =	sld [smem:$0x3FDB];
	_ =	sdelay $0x1  }
0x9f: {  	s5 =	simm.s32 $_scs_section_size  }
0xa0: {  	s6 =	simm.s32 $_size__tile_overlayer_lowered;
	s7 =	simm.s32 $_tile_overlayer_lowered  }
0xa1: {  	s8 =	simm.s32 $0x1BFF;
	s21 =	sshll.u32 s7, $0x1;
	s5 =	sadd.s32 s5, s20  }
0xa2: {  	s22 =	simm.s32 $0x0;
	s6 =	sshll.u32 s6, $0x1;
	s7 =	sadd.s32 s21, s5  }
0xa3: {  	[timem:s22], [sflag:s8] =	dma.local [hbm:s7], s6  }
0xa4: {  	_ =	swait.ge [sflag:s8], s6  }
0xa5: {  	s6 =	ssub.s32 $0x0, s6;
	[sflag:s8] =	ssyncset.done $0x0  }
0xa6: {  	[sflag:s8] =	ssyncadd.s32 s6;
	_ =	sdelay $0x1  }
0xa7: {  	s23 =	simm.s32 $0x1B8B  }
0xa8: {  	_ =	swait.ge [sflag:s23], $0x1  }
0xa9: {  	[sflag:s23] =	ssyncset.done $0x0  }
0xaa: {  	[sflag:s23] =	ssyncadd.s32 $0xFFFFFFFF  }
0xab: {  	s6 =	sld [smem:$0x0]  }
0xac: {  	s7 =	sand.u32 $0xFFFFFFFE, s1  }
0xad: {  	p0 =	sne.s32 s1, s7  }
0xae: {  	s7 =	sshll.u32 @p0 s7, $0xE  }
0xaf: {  	s7 =	sadd.s32 @p0 $0x11B8D, s7;
	s8 =	sshll.u32 @p0 s6, $0x11  }
0xb0: {  	s7 =	sor.u32 @p0 s8, s7  }
0xb1: {  	[sflag:s7] =	ssyncadd.remote.s32 @p0 $0x1;
	_ =	sdelay $0x1  }
0xb2: {  	s7 =	simm.s32 @p0 $0x1B8D  }
0xb3: {  	_ =	swait.eq @p0 [sflag:s7], $0x1  }
0xb4: {  	[sflag:s7] =	ssyncadd.s32 @p0 $0xFFFFFFFF  }
0xb5: {  	s8 =	sshll.u32 @!p0 s1, $0xE  }
0xb6: {  	s8 =	sor.u32 @!p0 $0x4000, s8;
	s7 =	simm.s32 @!p0 $0x1B8D  }
0xb7: {  	s6 =	sshll.u32 @!p0 s6, $0x11;
	s8 =	sadd.s32 @!p0 $0x11B8D, s8;
	_ =	swait.eq @!p0 [sflag:s7], $0x1  }
0xb8: {  	s6 =	sor.u32 @!p0 s6, s8;
	[sflag:s7] =	ssyncadd.s32 @!p0 $0xFFFFFFFF  }
0xb9: {  	s25 =	simm.s32 $0x1B8E;
	s24 =	sld [smem:$0x3FFE];
	[sflag:s6] =	ssyncadd.remote.s32 @!p0 $0x1  }
0xba: {  	s26 =	simm.s32 $execute0_lowered;
	[smem:$0x3FD2] =	sst s25  }
0xbb: {  	s7 =	sshll.u32 s26, $0x1;
	_ =	strace $0x80000049;
	[dreg:$0x1] =	wrdreg $0xFFFFFFFF  }
0xbc: {  	s28 =	simm.s32 $_size_execute0_lowered;
	s5 =	sadd.s32 s5, s7;
	[dreg:$0x0] =	wrdreg $0x0  }
0xbd: {  	s7 =	sshll.u32 s28, $0x1;
	[dreg:$0x2] =	wrdreg s5  }
0xbe: {  	[dreg:$0x3] =	wrdreg s7  }
0xbf: {  	[dreg:$0x4] =	wrdreg $0xC0  }
0xc0: {  	_ =	task [dreg:s22], $0x5FFFF  }
0xc1: {  	[dreg:$0x1] =	wrdreg $0xFFFFFFFF  }
0xc2: {  	[dreg:$0x0] =	wrdreg $0x60  }
0xc3: {  	[dreg:$0x2] =	wrdreg s17  }
0xc4: {  	[dreg:$0x3] =	wrdreg s24  }
0xc5: {  	[dreg:$0x4] =	wrdreg s18  }
0xc6: {  	[dreg:$0x5] =	wrdreg $0xA  }
0xc7: {  	_ =	task.clear_ibuf [dreg:s22], $0x6FFFF;
	_ =	strace $0x90000049  }
0xc8: {  	s29 =	simm.s32 $0xA;
	_ =	strace $0x8000004B  }
0xc9: {  	_ =	swait.ge [sflag:s29], $0x1  }
0xca: {  	[sflag:s29] =	ssyncadd.s32 $0xFFFFFFFF  }
0xcb: {  	_ =	strace $0x9000004B  }
0xcc: {  	_ =	sfence  }
0xcd: {  	s30 =	sld [smem:$0x0];
	_ =	sdelay $0x2  }
0xce: {  	s31 =	sshll.u32 s1, $0xD;
	s1 =	sshrl.u32 s1, $0x2  }
0xcf: {  	s4 =	sand.u32 $0x4000, s31;
	s1 =	sadd.s32 s1, s30  }
0xd0: {  	s0 =	sor.u32 s4, s0;
	s1 =	sshll.u32 s1, $0x11  }
0xd1: {  	s0 =	sor.u32 s1, s0  }
0xd2: {  	s0 =	sadd.s32 $0x8F2B, s0  }
0xd3: {  	[sflag:s0] =	ssyncadd.remote.s32 $0x1  }
0xd4: {  	_ =	sfence.sel $0xFFFF  }
0xd5: {  	[dreg:$0x0] =	wrdreg $0xFFFFFFFF;
	(pc) =	sbr.abs _section_cstart, $3  }
0xd6: {  	[dreg:$0x1] =	wrdreg $0xFFFFFFFF  }
0xd7: {  	_ =	task.clear_ibuf [dreg:s22], $0x2FFFF;
	_ =	strace $0x9FFFFFFF  }
0xd8: {  	(tm) =	ssettm $0x7FFFFFFF  }
0xd9: {  	_ =	shalt  }
tec
execute0_lowered:
.L_overlay_start_1:
0x0: {  	(tag) =	ssettag $0x1  }
0x1: {  	s3 =	rddreg [dreg:$0x0]  }
0x2: {  	s4 =	rddreg [dreg:$0x1]  }
0x3: {  	s5 =	rddreg [dreg:$0x2]  }
0x4: {  	s2 =	srdreg.scid;
	s1 =	stileid.u32  }
0x5: {  	s0 =	rddreg [dreg:$0x3];
	s6 =	sand.u32 $0x1, s2;
	s7 =	sshll.u32 s1, $0x1  }
0x6: {  	s10 =	simm.s32 $0x0;
	s2 =	simm.s32 $0x0;
	s7 =	sor.u32 s6, s7  }
0x7: {  	s6 =	ssub.s32 $0x2, s6;
	[smem:$0x7FF] =	sst s2;
	s8 =	sshll.u32 s7, $0x9  }
0x8: {  	s9 =	sshrl.u32 s6, $0x1;
	_ =	strace $0x8000004A;
	s7 =	sshll.u32 s7, $0x7  }
0x9: {  	s4 =	sadd.s32 s8, s4;
	s6 =	ssub.s32 s6, s9;
	s3 =	sadd.s32 s3, s8  }
0xa: {  	s5 =	sadd.s32 s5, s7;
	s7 =	simm.s32 $0x1;
	s8 =	simm.s32 $0x1000  }
0xb: {  	v0 =	vimm.s32 $0x8;
	v1 =	vimm.f32 $0.0e+00;
	v2 =	vlaneseq.u32;
	s9 =	simm.s32 $0x2000;
	s4 =	sadd.s32 $0xA800, s4;
	s6 =	smax.u32 s6, $0x1  }
.LBB2_1:
0xc: {  	[tilespmem:s2], [sflag:$0x1] =	stream.linear.gather [hbm4b:s3+s2], $0x1000, $0x38;
	[tilespmem:$0x2400] =	vst v63  }
0xd: {  	_ =	swait.ge [sflag:s7], $0x1000  }
0xe: {  	s11 =	sand.u32 $0x70, s2;
	s12 =	sand.u32 $0xC00, s2;
	[sflag:s7] =	ssyncset.done $0x0  }
0xf: {  	s11 =	sor.u32 s11, s12;
	[sflag:s7] =	ssyncadd.s32 $0xFFFFF000  }
0x10: {  	v4 =	vld [tilespmem:s11+$0x0]  }
0x11: {  	v5 =	vld [tilespmem:s11+$0x80]  }
0x12: {  	v6 =	vld [tilespmem:s11+$0x100]  }
0x13: {  	v7 =	vld [tilespmem:s11+$0x180]  }
0x14: {  	v8 =	vld [tilespmem:s11+$0x200]  }
0x15: {  	s30 =	sor.u32 s2, s2;
	v9 =	vld [tilespmem:s11+$0x280]  }
0x16: {  	s31 =	sor.u32 $0x380, s30;
	v10 =	vld [tilespmem:s11+$0x300];
	v3 =	vmax.f32 v4, v5  }
0x17: {  	v11 =	vld [tilespmem:s31+$0x0];
	v3 =	vmax.f32 v3, v6  }
0x18: {  	v3 =	vmax.f32 v3, v7  }
0x19: {  	v3 =	vmax.f32 v3, v8  }
0x1a: {  	v3 =	vmax.f32 v3, v9  }
0x1b: {  	v3 =	vmax.f32 v3, v10  }
0x1c: {  	v12 =	vmax.f32 v3, v11  }
0x1d: {  	vm0 =	veq.f32 v11, v12  }
0x1e: {  	vm1 =	veq.f32 v10, v12;
	v3 =	vsel vm0, $0x7, v0  }
0x1f: {  	vm8 =	veq.f32 v9, v12;
	v3 =	vsel vm1, $0x6, v3  }
0x20: {  	vm9 =	veq.f32 v8, v12;
	v3 =	vsel vm8, $0x5, v3  }
0x21: {  	vm10 =	veq.f32 v7, v12;
	v3 =	vsel vm9, $0x4, v3  }
0x22: {  	vm11 =	veq.f32 v6, v12;
	v3 =	vsel vm10, $0x3, v3  }
0x23: {  	vm12 =	veq.f32 v5, v12;
	v3 =	vsel vm11, $0x2, v3  }
0x24: {  	vm13 =	vne.f32 v4, v12;
	v3 =	vsel vm12, $0x1, v3  }
0x25: {  	vm0 =	vmand vm13, vm12;
	v3 =	vnsel vm13, $0x0, v3  }
0x26: {  	v4 =	vnsel vm13, $0xFF61B1E6, v4;
	v5 =	vsel vm0, $0xFF61B1E6, v5;
	vm14 =	veq.s32 v3, $0x2  }
0x27: {  	v13 =	vmax.f32 v4, v5;
	vm15 =	veq.s32 v3, $0x3;
	v6 =	vsel vm14, $0xFF61B1E6, v6  }
0x28: {  	vm4 =	veq.s32 v3, $0x4;
	v7 =	vsel vm15, $0xFF61B1E6, v7;
	v13 =	vmax.f32 v13, v6  }
0x29: {  	vm5 =	veq.s32 v3, $0x5;
	v8 =	vsel vm4, $0xFF61B1E6, v8;
	v13 =	vmax.f32 v13, v7  }
0x2a: {  	vm6 =	veq.s32 v3, $0x6;
	v9 =	vsel vm5, $0xFF61B1E6, v9;
	v13 =	vmax.f32 v13, v8  }
0x2b: {  	vm7 =	veq.s32 v3, $0x7;
	v10 =	vsel vm6, $0xFF61B1E6, v10;
	v13 =	vmax.f32 v13, v9  }
0x2c: {  	v11 =	vsel vm7, $0xFF61B1E6, v11;
	v13 =	vmax.f32 v13, v10  }
0x2d: {  	v13 =	vmax.f32 v13, v11  }
0x2e: {  	v12 =	vsub.f32 v13, v12;
	_ =	sdelay $0x1  }
0x2f: {  	v12 =	vmul.f32 $1.442695020e+00, v12;
	_ =	sdelay $0x1  }
0x30: {  	(erf) = vpow2.f32 v12;
	_ =	sdelay $0x8  }
0x31: {  	v12 =	vpop (erf)  }
0x32: {  	vm8 =	veq.f32 v11, v13;
	v14 =	vadd.f32 $1.000000000e+00, v12  }
0x33: {  	vm9 =	veq.f32 v10, v13;
	v10 =	vsel vm8, $0x7, v0  }
0x34: {  	vm10 =	veq.f32 v9, v13;
	v9 =	vsel vm9, $0x6, v10;
	(erf) = vrcp.f32 v14  }
0x35: {  	s11 =	simm.s32 $0x1040;
	vm11 =	veq.f32 v8, v13;
	v8 =	vsel vm10, $0x5, v9  }
0x36: {  	[tilespmem:s11+$0xFFFFFFC0] =	vst v1;
	vm12 =	veq.f32 v7, v13;
	v7 =	vsel vm11, $0x4, v8  }
0x37: {  	[tilespmem:s11+$0xFFFFFFD0] =	vst v1;
	vm13 =	veq.f32 v6, v13;
	v10 =	vor.u32 s2, v2;
	v6 =	vsel vm12, $0x3, v7  }
0x38: {  	[tilespmem:s11+$0xFFFFFFE0] =	vst v1;
	vm14 =	veq.f32 v5, v13;
	v9 =	vshll.u32 v10, $0x3;
	v5 =	vsel vm13, $0x2, v6  }
0x39: {  	[tilespmem:s11+$0xFFFFFFF0] =	vst v1;
	vm15 =	veq.f32 v4, v13;
	v11 =	vadd.s32 v9, v3;
	v4 =	vsel vm14, $0x1, v5  }
0x3a: {  	[tilespmem:s11+$0x0] =	vst v1;
	v4 =	vsel vm15, $0x0, v4  }
0x3b: {  	[tilespmem:s11+$0x10] =	vst v1;
	v7 =	vadd.s32 v9, v4  }
0x3c: {  	[tilespmem:s11+$0x20] =	vst v1;
	v5 =	vshll.u32 v10, $0x1  }
0x3d: {  	[tilespmem:s11+$0x30] =	vst v1;
	v6 =	vor.u32 $0x1, v5;
	v10 =	vpop (erf)  }
0x3e: {  	s13 =	simm.s32 $0x0;
	s12 =	simm.s32 $0x10;
	v8 =	vmul.f32 v10, v12;
	[tilespmem:v11+s8+$0x0] =	vst.idx.msk $0xffff, v10  }
.LBB2_2:
0x3f: {  	p0 =	sne.s32 s12, $0x1F0  }
0x40: {  	s13 =	sadd.s32 $0x80, s13;
	s11 =	sadd.s32 $0x80, s11;
	s14 =	smov.u32 s12;
	[tilespmem:v7+s8+$0x0] =	vst.idx.msk $0xffff, v8  }
0x41: {  	s12 =	sadd.s32 $0x10, s12;
	s15 =	sand.u32 $0x70, s14;
	s16 =	sand.u32 $0xC00, s13;
	[tilespmem:v5+s9+$0x0] =	vst.idx.msk $0xffff, v3  }
0x42: {  	s15 =	sor.u32 s15, s16;
	[tilespmem:v6+s9+$0x0] =	vst.idx.msk $0xffff, v4  }
0x43: {  	v4 =	vld [tilespmem:s15+$0x100]  }
0x44: {  	v3 =	vld [tilespmem:s15+$0x0]  }
0x45: {  	v5 =	vld [tilespmem:s15+$0x80]  }
0x46: {  	v6 =	vld [tilespmem:s15+$0x180]  }
0x47: {  	v7 =	vld [tilespmem:s15+$0x200]  }
0x48: {  	s16 =	sor.u32 s13, s14;
	v8 =	vld [tilespmem:s15+$0x280]  }
0x49: {  	v9 =	vld [tilespmem:s15+$0x300];
	s15 =	sor.u32 $0x380, s16  }
0x4a: {  	v10 =	vld [tilespmem:s15+$0x0];
	v11 =	vmax.f32 v3, v5  }
0x4b: {  	v11 =	vmax.f32 v11, v4;
	[tilespmem:s11+$0xFFFFFFC0] =	vst v1  }
0x4c: {  	v11 =	vmax.f32 v11, v6;
	[tilespmem:s11+$0xFFFFFFD0] =	vst v1  }
0x4d: {  	v11 =	vmax.f32 v11, v7;
	[tilespmem:s11+$0xFFFFFFE0] =	vst v1  }
0x4e: {  	v11 =	vmax.f32 v11, v8;
	[tilespmem:s11+$0xFFFFFFF0] =	vst v1  }
0x4f: {  	v11 =	vmax.f32 v11, v9;
	[tilespmem:s11+$0x0] =	vst v1  }
0x50: {  	v11 =	vmax.f32 v11, v10;
	[tilespmem:s11+$0x10] =	vst v1  }
0x51: {  	vm0 =	vne.f32 v3, v11;
	vm1 =	veq.f32 v9, v11;
	vm2 =	veq.f32 v10, v11;
	[tilespmem:s11+$0x20] =	vst v1  }
0x52: {  	vm3 =	veq.f32 v4, v11;
	vm4 =	veq.f32 v8, v11;
	v12 =	vsel vm2, $0x7, v0;
	[tilespmem:s11+$0x30] =	vst v1  }
0x53: {  	vm5 =	veq.f32 v7, v11;
	vm2 =	veq.f32 v5, v11;
	v12 =	vsel vm1, $0x6, v12  }
0x54: {  	vm1 =	veq.f32 v6, v11;
	v12 =	vsel vm4, $0x5, v12;
	vm4 =	vmand vm0, vm2  }
0x55: {  	v13 =	vnsel vm0, $0xFF61B1E6, v3;
	v12 =	vsel vm5, $0x4, v12;
	v5 =	vsel vm4, $0xFF61B1E6, v5  }
0x56: {  	v3 =	vsel vm1, $0x3, v12  }
0x57: {  	v3 =	vsel vm3, $0x2, v3  }
0x58: {  	v3 =	vsel vm2, $0x1, v3  }
0x59: {  	v12 =	vmax.f32 v13, v5;
	v3 =	vnsel vm0, $0x0, v3  }
0x5a: {  	vm0 =	veq.s32 v3, $0x2;
	vm1 =	veq.s32 v3, $0x3;
	vm2 =	veq.s32 v3, $0x4  }
0x5b: {  	v4 =	vsel vm0, $0xFF61B1E6, v4;
	v6 =	vsel vm1, $0xFF61B1E6, v6;
	vm0 =	veq.s32 v3, $0x5  }
0x5c: {  	v7 =	vsel vm2, $0xFF61B1E6, v7;
	vm1 =	veq.s32 v3, $0x6;
	v12 =	vmax.f32 v12, v4  }
0x5d: {  	v8 =	vsel vm0, $0xFF61B1E6, v8;
	vm0 =	veq.s32 v3, $0x7;
	v12 =	vmax.f32 v12, v6  }
0x5e: {  	v9 =	vsel vm1, $0xFF61B1E6, v9;
	v12 =	vmax.f32 v12, v7  }
0x5f: {  	v10 =	vsel vm0, $0xFF61B1E6, v10;
	v12 =	vmax.f32 v12, v8  }
0x60: {  	v12 =	vmax.f32 v12, v9  }
0x61: {  	v12 =	vmax.f32 v12, v10  }
0x62: {  	vm0 =	veq.f32 v9, v12;
	vm1 =	veq.f32 v10, v12;
	v9 =	vsub.f32 v12, v11  }
0x63: {  	vm2 =	veq.f32 v7, v12;
	vm3 =	veq.f32 v8, v12;
	v7 =	vsel vm1, $0x7, v0  }
0x64: {  	vm1 =	veq.f32 v6, v12;
	v6 =	vsel vm0, $0x6, v7;
	v7 =	vmul.f32 $1.442695020e+00, v9  }
0x65: {  	vm4 =	veq.f32 v4, v12;
	vm0 =	veq.f32 v5, v12;
	v4 =	vsel vm3, $0x5, v6  }
0x66: {  	vm3 =	veq.f32 v13, v12;
	v4 =	vsel vm2, $0x4, v4;
	(erf) = vpow2.f32 v7  }
0x67: {  	v4 =	vsel vm1, $0x3, v4  }
0x68: {  	v4 =	vsel vm4, $0x2, v4  }
0x69: {  	v4 =	vsel vm0, $0x1, v4;
	_ =	sdelay $0x5  }
0x6a: {  	v8 =	vpop (erf)  }
0x6b: {  	v5 =	vadd.f32 $1.000000000e+00, v8;
	_ =	sdelay $0x1  }
0x6c: {  	(erf) = vrcp.f32 v5;
	_ =	sdelay $0x2  }
0x6d: {  	v5 =	vor.u32 s14, v2  }
0x6e: {  	v6 =	vshll.u32 v5, $0x3  }
0x6f: {  	v4 =	vsel vm3, $0x0, v4;
	v9 =	vadd.s32 v6, v3  }
.Ltmp0:
0x70: {  	v7 =	vadd.s32 v6, v4;
	(pc) =	sbr.rel @p0 .LBB2_2-.Ltmp0, $4  }
0x71: {  	v5 =	vshll.u32 v5, $0x1  }
0x72: {  	v6 =	vor.u32 $0x1, v5  }
0x73: {  	v10 =	vpop (erf)  }
0x74: {  	v8 =	vmul.f32 v10, v8;
	[tilespmem:v9+s8+$0x0] =	vst.idx.msk $0xffff, v10  }
0x75: {  	_ =	sdelay $0x3  }
0x76: {  	[tilespmem:v7+s8+$0x0] =	vst.idx.msk $0xffff, v8  }
0x77: {  	[tilespmem:v5+s9+$0x0] =	vst.idx.msk $0xffff, v3  }
0x78: {  	[tilespmem:v6+s9+$0x0] =	vst.idx.msk $0xffff, v4  }
0x79: {  	[hbm4b:s4+s2] =	stream.linear.scatter [tilespmem:s8], [sflag:$0x1], $0x1000, $0x38;
	[tilespmem:$0x2400] =	vst v63  }
0x7a: {  	s10 =	sadd.s32 $0x1, s10;
	_ =	swait.ge [sflag:s7], $0x1000  }
0x7b: {  	p0 =	sne.s32 s10, s6;
	[sflag:s7] =	ssyncset.done $0x0  }
.Ltmp1:
0x7c: {  	[sflag:s7] =	ssyncadd.s32 $0xFFFFF000;
	(pc) =	sbr.rel @p0 .LBB2_1-.Ltmp1, $4  }
0x7d: {  	[hbm4b:s5+s2] =	stream.linear.scatter [tilespmem:s9], [sflag:$0x1], $0x400, $0x38;
	[tilespmem:$0x2400] =	vst v63  }
0x7e: {  	_ =	swait.ge [sflag:s7], $0x400  }
0x7f: {  	[sflag:s7] =	ssyncset.done $0x0  }
0x80: {  	[sflag:s7] =	ssyncadd.s32 $0xFFFFFC00  }
0x81: {  	_ =	sfence.sel $0x180000  }
0x82: {  	[bflag:$0x0] =	sbarrier.arrive $0xFFFF  }
0x83: {  	p0 =	sne.s32 s1, $0x0;
	_ =	strace $0x9000004A  }
0x84: {  	s0 =	sadd.s32 @!p0 $0x100000, s0;
	[bflag:$0x2] =	sbarrier.arrive $0xFFFF  }
0x85: {  	[sflag:s0] =	ssyncadd.tile.s32 @!p0 $0x1;
	_ =	shalt  }
.Lfunc_end2:
_tile_overlayer_lowered:
.L_overlay_start_2:
0x86: {  	(tag) =	ssettag $0x2  }
0x87: {  	s0 =	rddreg [dreg:$0x0];
	s2 =	stileid.u32  }
0x88: {  	s1 =	rddreg [dreg:$0x1];
	p0 =	sne.s32 s2, $0x0  }
0x89: {  	s3 =	rddreg [dreg:$0x2];
	[bflag:$0x3] =	sbarrier.arrive $0xFFFF;
	s2 =	simm.s32 @!p0 $0x1C01  }
0x8a: {  	[timem:s3], [sflag:s2] =	dma.local @!p0 [hbm:s0], s1  }
0x8b: {  	s0 =	simm.s32 @!p0 $0x1  }
0x8c: {  	_ =	swait.ge @!p0 [sflag:s0], s1  }
0x8d: {  	s1 =	ssub.s32 @!p0 $0x0, s1;
	[sflag:s0] =	ssyncset.done @!p0 $0x0  }
0x8e: {  	[sflag:s0] =	ssyncadd.s32 @!p0 s1  }
0x8f: {  	[bflag:$0x3] =	sbarrier.arrive $0xFFFF  }
0x90: {  	_ =	shalt  }

</sc_bundles>
